<compile_context>
chip_gen: v7x
topology: tpu7x:2x2x1
jax: 0.10.2.dev20260603
libtpu: 0.0.44.dev20260713+nightly
codegen_flags: <defaults>
</compile_context>

<pallas_src>
import functools

import jax
import jax.numpy as jnp
from jax.experimental import pallas as pl
from jax.experimental.pallas import tpu as pltpu
from jax.experimental.pallas import tpu_sc as plsc

_N = 262144
_B = 8192
_D = 64
_T = 512
_C = 64
_G = _N // _T
_NC = _T // _C
_W = _C + 8
_ZP = _B + _C

_NW = 32
_R = 128
_PW = _N // _NW
_IT = _PW // _R


def _mish(h):
    t = jnp.exp(h)
    u = t * (t + 2.0)
    return h * (1.0 - 2.0 / (u + 2.0))


def _dot(a, b):
    return jnp.dot(a.astype(jnp.bfloat16), b.astype(jnp.bfloat16),
                   preferred_element_type=jnp.float32)


def _ln(h, g, b):
    m_mat = jnp.full((_D, _D), 1.0 / _D, jnp.float32)
    m = _dot(h, m_mat)
    s2 = _dot(h * h, m_mat)
    v = s2 - m * m
    return (h - m) * jax.lax.rsqrt(v + 1e-5) * g + b


def _key_table(Wk1, bk1, gk, betak, Wk2, bk2):
    eye = (jax.lax.broadcasted_iota(jnp.int32, (_D, _D), 0)
           == jax.lax.broadcasted_iota(jnp.int32, (_D, _D), 1)).astype(jnp.float32)
    inp = jnp.concatenate([eye, jnp.zeros((8, _D), jnp.float32)], axis=0)
    h = _mish(_ln(_dot(inp, Wk1) + bk1, gk, betak))
    return _dot(h, Wk2) + bk2


def _kpos_bcast(b3c, b3r, carry_ref, i):
    @pl.when(i == 0)
    def _init():
        carry_ref[...] = jnp.full((1, 2), -1, jnp.int32)

    eq = b3c == b3r
    tri = (jax.lax.broadcasted_iota(jnp.int32, (_NC, _C, _C), 1)
           > jax.lax.broadcasted_iota(jnp.int32, (_NC, _C, _C), 2))
    eqtri = jnp.where(eq & tri, 1.0, 0.0).reshape(_T, _C)
    loc = _dot(eqtri, jnp.ones((_C, _C), jnp.float32)).astype(jnp.int32)

    bcol = b3c.reshape(_T, 1)
    cin_b = [carry_ref[0:1, 0:1]]
    cin_k = [carry_ref[0:1, 1:2]]
    for c in range(_NC):
        b_last = bcol[c * _C + _C - 1:c * _C + _C, :]
        l_last = loc[c * _C + _C - 1:c * _C + _C, 0:1]
        k_last = l_last + jnp.where(b_last == cin_b[c], cin_k[c] + 1, 0)
        cin_b.append(b_last)
        cin_k.append(k_last)
    carry_ref[...] = jnp.concatenate([cin_b[_NC], cin_k[_NC]], axis=1)

    adds = []
    for c in range(_NC):
        bc_c = bcol[c * _C:(c + 1) * _C, :]
        adds.append(jnp.where(bc_c == cin_b[c], cin_k[c] + 1, 0))
    add = jnp.concatenate(adds, axis=0)
    return loc + add


def _keys_for(kp, ktab_ref):
    ohk = (kp == jax.lax.broadcasted_iota(jnp.int32, (_T, _D), 1)).astype(jnp.float32)
    k = _dot(ohk, ktab_ref[0:_D, :])
    kzero = ktab_ref[_D:_D + 1, :]
    return k + jnp.where(kp >= _D, 1.0, 0.0) * kzero


def _enc_body(bases_ref, x_ref, b3c_ref, b3r_ref, Wv1_ref, bv1_ref, gv_ref,
              betav_ref, Wv2_ref, bv2_ref, Wk1_ref, bk1_ref, gk_ref,
              betak_ref, Wk2_ref, bk2_ref, Wc_ref, z_ref, ktab_ref, carry_ref):
    i = pl.program_id(0)

    @pl.when(i == 0)
    def _init():
        z_ref[...] = jnp.zeros((_ZP, 2 * _D), jnp.float32)
        ktab_ref[...] = _key_table(Wk1_ref[...], bk1_ref[...], gk_ref[...],
                                   betak_ref[...], Wk2_ref[...], bk2_ref[...])

    b3c = b3c_ref[0]
    b3r = b3r_ref[0]
    kp = _kpos_bcast(b3c, b3r, carry_ref, i)

    v = _mish(_ln(_dot(x_ref[...], Wv1_ref[...]) + bv1_ref[...],
                  gv_ref[...], betav_ref[...]))
    v = _dot(v, Wv2_ref[...]) + bv2_ref[...]
    k = _keys_for(kp, ktab_ref)
    y = v * k + Wc_ref[...]

    for c in range(_NC):
        base = bases_ref[i * _NC + c]
        abase = jnp.bitwise_and(base, -8)
        brow_c = b3r[c]
        tt = jax.lax.broadcasted_iota(jnp.int32, (_W, _C), 0)
        ohT = (tt == (brow_c - abase)).astype(jnp.float32)
        part = _dot(ohT, y[c * _C:(c + 1) * _C, :])
        part = jnp.concatenate([part, jnp.zeros((_W, _D), jnp.float32)], axis=1)
        z_ref[pl.ds(pl.multiple_of(abase, 8), _W), :] += part


def _sc_gather_body(z_hbm, b_hbm, out_hbm, idx_v, rows_v, sem):
    cid = jax.lax.axis_index("c")
    sid = jax.lax.axis_index("s")
    wid = sid * 2 + cid
    base = wid * _PW

    def body(j, carry):
        off = base + j * _R
        pltpu.sync_copy(b_hbm.at[pl.ds(off, _R)], idx_v)
        pltpu.async_copy(z_hbm.at[idx_v], rows_v, sem).wait()
        pltpu.sync_copy(rows_v, out_hbm.at[pl.ds(off, _R), :])
        return carry

    jax.lax.fori_loop(0, _IT, body, 0)


_sc_gather = functools.partial(
    pl.kernel,
    out_type=jax.ShapeDtypeStruct((_N, 2 * _D), jnp.float32),
    mesh=plsc.VectorSubcoreMesh(core_axis_name="c", subcore_axis_name="s"),
    scratch_types=[
        pltpu.VMEM((_R,), jnp.int32),
        pltpu.VMEM((_R, 2 * _D), jnp.float32),
        pltpu.SemaphoreType.DMA,
    ],
)(_sc_gather_body)


def _dec_body(zrep_ref, b3c_ref, b3r_ref, Wk1_ref, bk1_ref, gk_ref,
              betak_ref, Wk2_ref, bk2_ref, bc_ref, Wd1_ref, bd1_ref, Wd2_ref,
              bd2_ref, xr_ref, ktab_ref, carry_ref):
    i = pl.program_id(0)

    @pl.when(i == 0)
    def _init():
        ktab_ref[...] = _key_table(Wk1_ref[...], bk1_ref[...], gk_ref[...],
                                   betak_ref[...], Wk2_ref[...], bk2_ref[...])

    kp = _kpos_bcast(b3c_ref[0], b3r_ref[0], carry_ref, i)
    k = _keys_for(kp, ktab_ref)

    sel = (jax.lax.broadcasted_iota(jnp.int32, (2 * _D, _D), 0)
           == jax.lax.broadcasted_iota(jnp.int32, (2 * _D, _D), 1)
           ).astype(jnp.float32)
    zp = (_dot(zrep_ref[...], sel) + bc_ref[...]) * k
    h = _mish(_dot(zp, Wd1_ref[...]) + bd1_ref[...])
    xr_ref[...] = _dot(h, Wd2_ref[...]) + bd2_ref[...]


def _full(shape):
    return pl.BlockSpec(shape, lambda i, b: tuple(0 for _ in shape))


def _full_ng(shape):
    return pl.BlockSpec(shape, lambda i: tuple(0 for _ in shape))


def _row(vec):
    return vec.reshape(1, -1)


@jax.jit
def kernel(x, batch, Wk1, bk1, gk, betak, Wk2, bk2, Wv1, bv1, gv, betav, Wv2,
           bv2, Wr, br, Wc, bc, Wd1, bd1, Wd2, bd2):
    del Wr, br
    b4c = batch.reshape(_G, _NC, _C, 1)
    b4r = batch.reshape(_G, _NC, 1, _C)
    bases = batch[::_C]

    seq = pltpu.CompilerParams(dimension_semantics=("arbitrary",))
    bspec_c = pl.BlockSpec((1, _NC, _C, 1), lambda i, b: (i, 0, 0, 0))
    bspec_r = pl.BlockSpec((1, _NC, 1, _C), lambda i, b: (i, 0, 0, 0))

    z = pl.pallas_call(
        _enc_body,
        grid_spec=pltpu.PrefetchScalarGridSpec(
            num_scalar_prefetch=1,
            grid=(_G,),
            in_specs=[
                pl.BlockSpec((_T, _D), lambda i, b: (i, 0)),
                bspec_c, bspec_r,
                _full((_D, _D)), _full((1, _D)), _full((1, _D)), _full((1, _D)),
                _full((_D, _D)), _full((1, _D)),
                _full((_D, _D)), _full((1, _D)), _full((1, _D)), _full((1, _D)),
                _full((_D, _D)), _full((1, _D)),
                _full((1, _D)),
            ],
            out_specs=_full((_ZP, 2 * _D)),
            scratch_shapes=[
                pltpu.VMEM((_D + 8, _D), jnp.float32),
                pltpu.VMEM((1, 2), jnp.int32),
            ],
        ),
        out_shape=jax.ShapeDtypeStruct((_ZP, 2 * _D), jnp.float32),
        compiler_params=seq,
    )(bases, x, b4c, b4r, Wv1, _row(bv1), _row(gv), _row(betav), Wv2,
      _row(bv2), Wk1, _row(bk1), _row(gk), _row(betak), Wk2, _row(bk2), Wc)

    zrep = _sc_gather(z, batch)

    fng = _full_ng
    xr = pl.pallas_call(
        _dec_body,
        grid=(_G,),
        in_specs=[
            pl.BlockSpec((_T, 2 * _D), lambda i: (i, 0)),
            pl.BlockSpec((1, _NC, _C, 1), lambda i: (i, 0, 0, 0)),
            pl.BlockSpec((1, _NC, 1, _C), lambda i: (i, 0, 0, 0)),
            fng((_D, _D)), fng((1, _D)), fng((1, _D)), fng((1, _D)),
            fng((_D, _D)), fng((1, _D)),
            fng((1, _D)),
            fng((_D, _D)), fng((1, _D)),
            fng((_D, _D)), fng((1, _D)),
        ],
        out_specs=pl.BlockSpec((_T, _D), lambda i: (i, 0)),
        scratch_shapes=[
            pltpu.VMEM((_D + 8, _D), jnp.float32),
            pltpu.VMEM((1, 2), jnp.int32),
        ],
        out_shape=jax.ShapeDtypeStruct((_N, _D), jnp.float32),
        compiler_params=seq,
    )(zrep, b4c, b4r, Wk1, _row(bk1), _row(gk), _row(betak), Wk2,
      _row(bk2), _row(bc), Wd1, _row(bd1), Wd2, _row(bd2))

    return (xr, batch)

# --- scband reference (transcript-rebuilt; emitter-appended) ---
"""Pipeline reference for scband-auto-encoder-14328010899794 (READ-ONLY COPY).

The authoritative reference and input builder live on the scoring server;
editing this copy changes nothing except your own understanding.
"""

import jax, jax.numpy as jnp
import numpy as np

DIM = 64
HID = 64
MAXN = 64
NSEG = 8192
NTOK = 262144


def _mish(x):
    return x * jnp.tanh(jax.nn.softplus(x))


def _ln(x, g, b):
    m = jnp.mean(x, axis=-1, keepdims=True)
    v = jnp.var(x, axis=-1, keepdims=True)
    return (x - m) / jnp.sqrt(v + 1e-5) * g + b


def _mlp_ln(x, W1, b1, g, beta, W2, b2):
    h = x @ W1 + b1
    h = _ln(h, g, beta)
    h = _mish(h)
    return h @ W2 + b2


def _mlp(x, W1, b1, W2, b2):
    h = _mish(x @ W1 + b1)
    return h @ W2 + b2


def setup_inputs(seed: int = 0):
    key = jax.random.key(seed)
    ks = jax.random.split(key, 16)
    x = jax.random.normal(ks[0], (NTOK, DIM), dtype=jnp.float32)
    # sorted segment ids covering every segment (required by repeat_interleave semantics)
    extra = jax.random.randint(ks[1], (NTOK - NSEG,), 0, NSEG)
    batch = jnp.sort(jnp.concatenate([jnp.arange(NSEG), extra]).astype(jnp.int32))
    kmid = (MAXN + HID) // 2
    vmid = (DIM + HID) // 2
    dmid = (HID + DIM) // 2

    def lin(k, fi, fo):
        return jax.random.normal(k, (fi, fo), dtype=jnp.float32) / np.sqrt(fi)

    return {
        'x': x, 'batch': batch,
        'Wk1': lin(ks[2], MAXN, kmid), 'bk1': jnp.zeros((kmid,), jnp.float32),
        'gk': jnp.ones((kmid,), jnp.float32), 'betak': jnp.zeros((kmid,), jnp.float32),
        'Wk2': lin(ks[3], kmid, HID), 'bk2': jnp.zeros((HID,), jnp.float32),
        'Wv1': lin(ks[4], DIM, vmid), 'bv1': jnp.zeros((vmid,), jnp.float32),
        'gv': jnp.ones((vmid,), jnp.float32), 'betav': jnp.zeros((vmid,), jnp.float32),
        'Wv2': lin(ks[5], vmid, HID), 'bv2': jnp.zeros((HID,), jnp.float32),
        'Wr': lin(ks[6], DIM, 1), 'br': jnp.zeros((1,), jnp.float32),
        'Wc': lin(ks[7], 1, HID), 'bc': jnp.zeros((HID,), jnp.float32),
        'Wd1': lin(ks[8], HID, dmid), 'bd1': jnp.zeros((dmid,), jnp.float32),
        'Wd2': lin(ks[9], dmid, DIM), 'bd2': jnp.zeros((DIM,), jnp.float32),
    }


def reference(x, batch, Wk1, bk1, gk, betak, Wk2, bk2, Wv1, bv1, gv, betav, Wv2, bv2, Wr, br, Wc, bc, Wd1, bd1, Wd2, bd2):
    N = x.shape[0]
    B = NSEG
    # Encoder
    n = jax.ops.segment_sum(jnp.ones((N,), jnp.float32), batch, num_segments=B).astype(jnp.int32)
    mag = x @ Wr + br
    max_mag = jnp.max(mag) + 0.0001
    new_mag = batch.astype(jnp.float32) * max_mag
    idx_sorted = jnp.argsort(new_mag)
    xs = jnp.take(x, idx_sorted, axis=0)
    offsets = jnp.cumsum(n) - n
    kpos = jnp.arange(N) - jnp.take(offsets, batch, axis=0)
    keys_oh = jax.nn.one_hot(kpos, MAXN, dtype=jnp.float32)
    y = _mlp_ln(xs, Wv1, bv1, gv, betav, Wv2, bv2) * _mlp_ln(keys_oh, Wk1, bk1, gk, betak, Wk2, bk2)
    z_el = jax.ops.segment_sum(y, batch, num_segments=B)
    n_enc = n[:, None].astype(jnp.float32) @ Wc + bc
    z = z_el + n_enc
    # Decoder (key_net shared with encoder)
    q = _mlp_ln(keys_oh, Wk1, bk1, gk, betak, Wk2, bk2)
    vals_rep = jnp.repeat(z, n, axis=0, total_repeat_length=N)
    zp = vals_rep * q
    xr = _mlp(zp, Wd1, bd1, Wd2, bd2)
    return (xr, batch)

if __name__ == "__main__":
    import jax
    _d = setup_inputs()
    print(jax.jit(kernel)(*tuple(_d.values())))

</pallas_src>

<mosaic_0001>
#map = affine_map<(d0, d1) -> (0, 0)>
#map1 = affine_map<(d0, d1) -> (0)>
module attributes {stable_mosaic.version = 14 : i64} {
  func.func @_sc_gather_body(%arg0: i32, %arg1: i32, %arg2: memref<8256x128xf32, #tpu.memory_space<hbm>>, %arg3: memref<262144xi32, #tpu.memory_space<hbm>>, %arg4: memref<262144x128xf32, #tpu.memory_space<hbm>>, %arg5: memref<128xi32, #tpu.memory_space<vmem>>, %arg6: memref<128x128xf32, #tpu.memory_space<vmem>>, %arg7: memref<!tpu.dma_semaphore, #tpu.memory_space<semaphore_mem>>) attributes {dimension_semantics = [#tpu.dimension_semantics<core_parallel>, #tpu.dimension_semantics<subcore_parallel>], iteration_bounds = array<i64: 2, 16>, scalar_prefetch = 0 : i64, scratch_operands = 3 : i64, tpu.core_type = #tpu.core_type<sc_vector_subcore>, window_params = [{transform_indices = #map}, {transform_indices = #map1}, {transform_indices = #map}]} {
    %mul3A = arith.constant 2 : i32
    %mul3A_0 = arith.muli %arg1, %mul3A : i32
    %add3A = arith.addi %mul3A_0, %arg0 : i32
    %mul3A_1 = arith.constant 8192 : i32
    %mul3A_2 = arith.muli %add3A, %mul3A_1 : i32
    %scan3A = arith.constant 0 : i32
    %scan3A_3 = arith.constant 0 : i32
    %scan3A_4 = arith.constant 64 : i32
    %scan3A_5 = arith.addi %scan3A_3, %scan3A_4 : i32
    %scan3A_6 = arith.constant 1 : i32
    scf.for %scan3A_8 = %scan3A_3 to %scan3A_5 step %scan3A_6  : i32 {
      %mul3A_9 = arith.constant 128 : i32
      %mul3A_10 = arith.muli %scan3A_8, %mul3A_9 : i32
      %add3A_11 = arith.addi %mul3A_2, %mul3A_10 : i32
      "tpu.region"() ({
        %run_scoped3A = tpu.sem_alloc : memref<!tpu.dma_semaphore, #tpu.memory_space<semaphore_mem>>
        %dma_start3A_16 = tpu.memref_slice %arg3[%add3A_11] : memref<262144xi32, #tpu.memory_space<hbm>> -> memref<128xi32, #tpu.memory_space<hbm>>
        %dma_start3A_17 = tpu.memref_slice %arg3[%add3A_11] : memref<262144xi32, #tpu.memory_space<hbm>> -> memref<128xi32, #tpu.memory_space<hbm>>
        tpu.enqueue_dma source(%dma_start3A_17 : memref<128xi32, #tpu.memory_space<hbm>>) target(%arg5 : memref<128xi32, #tpu.memory_space<vmem>>) target_semaphore(%run_scoped3A : memref<!tpu.dma_semaphore, #tpu.memory_space<semaphore_mem>>)
        %dma_wait3A_18 = tpu.memref_slice %arg3[%add3A_11] : memref<262144xi32, #tpu.memory_space<hbm>> -> memref<128xi32, #tpu.memory_space<hbm>>
        %dma_wait3A_19 = tpu.memref_slice %arg3[%add3A_11] : memref<262144xi32, #tpu.memory_space<hbm>> -> memref<128xi32, #tpu.memory_space<hbm>>
        tpu.wait_dma2 semaphore(%run_scoped3A : memref<!tpu.dma_semaphore, #tpu.memory_space<semaphore_mem>>) src(%dma_wait3A_19 : memref<128xi32, #tpu.memory_space<hbm>>) dst(%arg5 : memref<128xi32, #tpu.memory_space<vmem>>)
        tpu.yield
      }) : () -> ()
      %dma_start3A = arith.constant 0 : i32
      %dma_start3A_12 = arith.constant 0 : i32
      %dma_start3A_13 = tpu.memref_slice %arg2[%dma_start3A, %dma_start3A_12] : memref<8256x128xf32, #tpu.memory_space<hbm>> -> memref<8256x128xf32, #tpu.memory_space<hbm>>
      tpu.enqueue_indirect_dma source(%dma_start3A_13 : memref<8256x128xf32, #tpu.memory_space<hbm>>) target(%arg6 : memref<128x128xf32, #tpu.memory_space<vmem>>) offsets(%arg5 : memref<128xi32, #tpu.memory_space<vmem>>) semaphore(%arg7 : memref<!tpu.dma_semaphore, #tpu.memory_space<semaphore_mem>>)
      %dma_wait3A = arith.constant 0 : i32
      %dma_wait3A_14 = arith.constant 0 : i32
      %dma_wait3A_15 = tpu.memref_slice %arg2[%dma_wait3A, %dma_wait3A_14] : memref<8256x128xf32, #tpu.memory_space<hbm>> -> memref<8256x128xf32, #tpu.memory_space<hbm>>
      tpu.wait_indirect_dma semaphore(%arg7 : memref<!tpu.dma_semaphore, #tpu.memory_space<semaphore_mem>>) src(%dma_wait3A_15 : memref<8256x128xf32, #tpu.memory_space<hbm>>) dst(%arg6 : memref<128x128xf32, #tpu.memory_space<vmem>>)
      "tpu.region"() ({
        %run_scoped3A = tpu.sem_alloc : memref<!tpu.dma_semaphore, #tpu.memory_space<semaphore_mem>>
        %dma_start3A_16 = arith.constant 0 : i32
        %dma_start3A_17 = tpu.memref_slice %arg4[%add3A_11, %dma_start3A_16] : memref<262144x128xf32, #tpu.memory_space<hbm>> -> memref<128x128xf32, #tpu.memory_space<hbm>>
        %dma_start3A_18 = arith.constant 0 : i32
        %dma_start3A_19 = tpu.memref_slice %arg4[%add3A_11, %dma_start3A_18] : memref<262144x128xf32, #tpu.memory_space<hbm>> -> memref<128x128xf32, #tpu.memory_space<hbm>>
        tpu.enqueue_dma source(%arg6 : memref<128x128xf32, #tpu.memory_space<vmem>>) target(%dma_start3A_19 : memref<128x128xf32, #tpu.memory_space<hbm>>) target_semaphore(%run_scoped3A : memref<!tpu.dma_semaphore, #tpu.memory_space<semaphore_mem>>)
        %dma_wait3A_20 = arith.constant 0 : i32
        %dma_wait3A_21 = tpu.memref_slice %arg4[%add3A_11, %dma_wait3A_20] : memref<262144x128xf32, #tpu.memory_space<hbm>> -> memref<128x128xf32, #tpu.memory_space<hbm>>
        %dma_wait3A_22 = arith.constant 0 : i32
        %dma_wait3A_23 = tpu.memref_slice %arg4[%add3A_11, %dma_wait3A_22] : memref<262144x128xf32, #tpu.memory_space<hbm>> -> memref<128x128xf32, #tpu.memory_space<hbm>>
        tpu.wait_dma2 semaphore(%run_scoped3A : memref<!tpu.dma_semaphore, #tpu.memory_space<semaphore_mem>>) src(%arg6 : memref<128x128xf32, #tpu.memory_space<vmem>>) dst(%dma_wait3A_23 : memref<128x128xf32, #tpu.memory_space<hbm>>)
        tpu.yield
      }) : () -> ()
    }
    %scan3A_7 = arith.constant 64 : i32
    return
  }
}

module attributes {stable_mosaic.version = 14 : i64} {
  func.func @_enc_body(%arg0: i32, %arg1: memref<4096xi32, #tpu.memory_space<smem>>, %arg2: memref<512x64xf32, #tpu.memory_space<vmem>>, %arg3: memref<1x8x64x1xi32, #tpu.memory_space<vmem>>, %arg4: memref<1x8x1x64xi32, #tpu.memory_space<vmem>>, %arg5: memref<64x64xf32, #tpu.memory_space<vmem>>, %arg6: memref<1x64xf32, #tpu.memory_space<vmem>>, %arg7: memref<1x64xf32, #tpu.memory_space<vmem>>, %arg8: memref<1x64xf32, #tpu.memory_space<vmem>>, %arg9: memref<64x64xf32, #tpu.memory_space<vmem>>, %arg10: memref<1x64xf32, #tpu.memory_space<vmem>>, %arg11: memref<64x64xf32, #tpu.memory_space<vmem>>, %arg12: memref<1x64xf32, #tpu.memory_space<vmem>>, %arg13: memref<1x64xf32, #tpu.memory_space<vmem>>, %arg14: memref<1x64xf32, #tpu.memory_space<vmem>>, %arg15: memref<64x64xf32, #tpu.memory_space<vmem>>, %arg16: memref<1x64xf32, #tpu.memory_space<vmem>>, %arg17: memref<1x64xf32, #tpu.memory_space<vmem>>, %arg18: memref<8256x128xf32, #tpu.memory_space<vmem>>, %arg19: memref<72x64xf32, #tpu.memory_space<vmem>>, %arg20: memref<1x2xi32, #tpu.memory_space<vmem>>) attributes {dimension_semantics = [#tpu.dimension_semantics<arbitrary>], iteration_bounds = array<i64: 512>, scalar_prefetch = 1 : i64, scratch_operands = 2 : i64, tpu.core_type = #tpu.core_type<tc>, window_params = [{transform_indices = @transform_0, window_bounds = array<i64: 512, 64>}, {transform_indices = @transform_1, window_bounds = array<i64: 1, 8, 64, 1>}, {transform_indices = @transform_2, window_bounds = array<i64: 1, 8, 1, 64>}, {pipeline_mode = #tpu.pipeline_mode<synchronous>, transform_indices = @transform_3, window_bounds = array<i64: 64, 64>}, {pipeline_mode = #tpu.pipeline_mode<synchronous>, transform_indices = @transform_4, window_bounds = array<i64: 1, 64>}, {pipeline_mode = #tpu.pipeline_mode<synchronous>, transform_indices = @transform_5, window_bounds = array<i64: 1, 64>}, {pipeline_mode = #tpu.pipeline_mode<synchronous>, transform_indices = @transform_6, window_bounds = array<i64: 1, 64>}, {pipeline_mode = #tpu.pipeline_mode<synchronous>, transform_indices = @transform_7, window_bounds = array<i64: 64, 64>}, {pipeline_mode = #tpu.pipeline_mode<synchronous>, transform_indices = @transform_8, window_bounds = array<i64: 1, 64>}, {pipeline_mode = #tpu.pipeline_mode<synchronous>, transform_indices = @transform_9, window_bounds = array<i64: 64, 64>}, {pipeline_mode = #tpu.pipeline_mode<synchronous>, transform_indices = @transform_10, window_bounds = array<i64: 1, 64>}, {pipeline_mode = #tpu.pipeline_mode<synchronous>, transform_indices = @transform_11, window_bounds = array<i64: 1, 64>}, {pipeline_mode = #tpu.pipeline_mode<synchronous>, transform_indices = @transform_12, window_bounds = array<i64: 1, 64>}, {pipeline_mode = #tpu.pipeline_mode<synchronous>, transform_indices = @transform_13, window_bounds = array<i64: 64, 64>}, {pipeline_mode = #tpu.pipeline_mode<synchronous>, transform_indices = @transform_14, window_bounds = array<i64: 1, 64>}, {pipeline_mode = #tpu.pipeline_mode<synchronous>, transform_indices = @transform_15, window_bounds = array<i64: 1, 64>}, {pipeline_mode = #tpu.pipeline_mode<synchronous>, transform_indices = @transform_16, window_bounds = array<i64: 8256, 128>}]} {
    %eq3A = arith.constant 0 : i32
    %eq3A_0 = arith.cmpi eq, %arg0, %eq3A : i32
    %convert_element_type3A = arith.extui %eq3A_0 : i1 to i32
    %cond3A = arith.constant 0 : i32
    %cond3A_1 = arith.cmpi ne, %convert_element_type3A, %cond3A : i32
    scf.if %cond3A_1 {
      %broadcast_in_dim3A_578 = arith.constant 0.000000e+00 : f32
      %broadcast_in_dim3A_579 = vector.broadcast %broadcast_in_dim3A_578 : f32 to vector<8256x128xf32>
      %swap3A_580 = arith.constant 0 : index
      %swap3A_581 = arith.constant 0 : index
      %swap3A_582 = vector.load %arg18[%swap3A_580, %swap3A_581] : memref<8256x128xf32, #tpu.memory_space<vmem>>, vector<8256x128xf32>
      tpu.vector_store %arg18[%swap3A_580, %swap3A_581], %broadcast_in_dim3A_579 {strides = array<i32>} : memref<8256x128xf32, #tpu.memory_space<vmem>>, vector<8256x128xf32>,
      %get3A_583 = arith.constant 0 : index
      %get3A_584 = arith.constant 0 : index
      %get3A_585 = vector.load %arg11[%get3A_583, %get3A_584] : memref<64x64xf32, #tpu.memory_space<vmem>>, vector<64x64xf32>
      %get3A_586 = arith.constant 0 : index
      %get3A_587 = arith.constant 0 : index
      %get3A_588 = vector.load %arg12[%get3A_586, %get3A_587] : memref<1x64xf32, #tpu.memory_space<vmem>>, vector<1x64xf32>
      %get3A_589 = arith.constant 0 : index
      %get3A_590 = arith.constant 0 : index
      %get3A_591 = vector.load %arg13[%get3A_589, %get3A_590] : memref<1x64xf32, #tpu.memory_space<vmem>>, vector<1x64xf32>
      %get3A_592 = arith.constant 0 : index
      %get3A_593 = arith.constant 0 : index
      %get3A_594 = vector.load %arg14[%get3A_592, %get3A_593] : memref<1x64xf32, #tpu.memory_space<vmem>>, vector<1x64xf32>
      %get3A_595 = arith.constant 0 : index
      %get3A_596 = arith.constant 0 : index
      %get3A_597 = vector.load %arg15[%get3A_595, %get3A_596] : memref<64x64xf32, #tpu.memory_space<vmem>>, vector<64x64xf32>
      %get3A_598 = arith.constant 0 : index
      %get3A_599 = arith.constant 0 : index
      %get3A_600 = vector.load %arg16[%get3A_598, %get3A_599] : memref<1x64xf32, #tpu.memory_space<vmem>>, vector<1x64xf32>
      %iota3A_601 = tpu.iota {dimensions = array<i32: 0>} : vector<64x64xi32>
      %iota3A_602 = tpu.iota {dimensions = array<i32: 1>} : vector<64x64xi32>
      %eq3A_603 = arith.cmpi eq, %iota3A_601, %iota3A_602 : vector<64x64xi32>
      %convert_element_type3A_604 = arith.extui %eq3A_603 : vector<64x64xi1> to vector<64x64xi32>
      %convert_element_type3A_605 = arith.sitofp %convert_element_type3A_604 : vector<64x64xi32> to vector<64x64xf32>
      %broadcast_in_dim3A_606 = arith.constant 0.000000e+00 : f32
      %broadcast_in_dim3A_607 = vector.broadcast %broadcast_in_dim3A_606 : f32 to vector<8x64xf32>
      %concatenate3A_608 = tpu.concatenate %convert_element_type3A_605, %broadcast_in_dim3A_607 in 0 : vector<64x64xf32>, vector<8x64xf32> -> vector<72x64xf32>
      %convert_element_type3A_609 = arith.truncf %concatenate3A_608 : vector<72x64xf32> to vector<72x64xbf16>
      %convert_element_type3A_610 = arith.truncf %get3A_585 : vector<64x64xf32> to vector<64x64xbf16>
      %dot_general3A_611 = arith.constant dense<0.000000e+00> : vector<72x64xf32>
      %dot_general3A_612 = tpu.matmul %convert_element_type3A_609, %convert_element_type3A_610, %dot_general3A_611 {dimension_numbers = #tpu.dot_dimension_numbers<[1], [0], [0], [1], [0, 0, 1, 1], [], []>, transpose_lhs_hint = false} : vector<72x64xbf16>, vector<64x64xbf16>, vector<72x64xf32> -> vector<72x64xf32>
      %add3A_613 = vector.broadcast %get3A_588 : vector<1x64xf32> to vector<72x64xf32>
      %add3A_614 = arith.addf %dot_general3A_612, %add3A_613 : vector<72x64xf32>
      %reduce_sum3A_615 = arith.constant dense<0.000000e+00> : vector<72xf32>
      %reduce_sum3A_616 = vector.multi_reduction <add>, %add3A_614, %reduce_sum3A_615 [1] : vector<72x64xf32> to vector<72xf32>
      %broadcast_in_dim3A_617 = vector.shape_cast %reduce_sum3A_616 : vector<72xf32> to vector<72x1xf32>
      %div3A_618 = arith.constant 6.400000e+01 : f32
      %div3A_619 = vector.broadcast %div3A_618 : f32 to vector<72x1xf32>
      %div3A_620 = arith.divf %broadcast_in_dim3A_617, %div3A_619 : vector<72x1xf32>
      %jit3A_621 = arith.constant 0 : i32
      %reduce_sum3A_622 = arith.constant dense<0.000000e+00> : vector<72xf32>
      %reduce_sum3A_623 = vector.multi_reduction <add>, %add3A_614, %reduce_sum3A_622 [1] : vector<72x64xf32> to vector<72xf32>
      %broadcast_in_dim3A_624 = vector.shape_cast %reduce_sum3A_623 : vector<72xf32> to vector<72x1xf32>
      %div3A_625 = arith.constant 6.400000e+01 : f32
      %div3A_626 = vector.broadcast %div3A_625 : f32 to vector<72x1xf32>
      %div3A_627 = arith.divf %broadcast_in_dim3A_624, %div3A_626 : vector<72x1xf32>
      %sub3A_628 = vector.broadcast %div3A_627 : vector<72x1xf32> to vector<72x64xf32>
      %sub3A_629 = arith.subf %add3A_614, %sub3A_628 : vector<72x64xf32>
      %square3A_630 = arith.mulf %sub3A_629, %sub3A_629 : vector<72x64xf32>
      %convert_element_type3A_631 = arith.sitofp %jit3A_621 : i32 to f32
      %sub3A_632 = arith.constant 6.400000e+01 : f32
      %sub3A_633 = arith.subf %sub3A_632, %convert_element_type3A_631 : f32
      %reduce_sum3A_634 = arith.constant dense<0.000000e+00> : vector<72xf32>
      %reduce_sum3A_635 = vector.multi_reduction <add>, %square3A_630, %reduce_sum3A_634 [1] : vector<72x64xf32> to vector<72xf32>
      %broadcast_in_dim3A_636 = vector.shape_cast %reduce_sum3A_635 : vector<72xf32> to vector<72x1xf32>
      %div3A_637 = vector.broadcast %sub3A_633 : f32 to vector<72x1xf32>
      %div3A_638 = arith.divf %broadcast_in_dim3A_636, %div3A_637 : vector<72x1xf32>
      %gt3A_639 = arith.constant 0.000000e+00 : f32
      %gt3A_640 = arith.cmpf ogt, %sub3A_633, %gt3A_639 : f32
      %jit3A_641 = arith.constant 0x7FC00000 : f32
      %broadcast_in_dim3A_642 = vector.broadcast %jit3A_641 : f32 to vector<72x1xf32>
      %select_n3A_643 = arith.select %gt3A_640, %div3A_638, %broadcast_in_dim3A_642 : vector<72x1xf32>
      %sub3A_644 = vector.broadcast %div3A_620 : vector<72x1xf32> to vector<72x64xf32>
      %sub3A_645 = arith.subf %add3A_614, %sub3A_644 : vector<72x64xf32>
      %add3A_646 = arith.constant 9.99999974E-6 : f32
      %add3A_647 = vector.broadcast %add3A_646 : f32 to vector<72x1xf32>
      %add3A_648 = arith.addf %select_n3A_643, %add3A_647 : vector<72x1xf32>
      %sqrt3A_649 = math.sqrt %add3A_648 : vector<72x1xf32>
      %div3A_650 = vector.broadcast %sqrt3A_649 : vector<72x1xf32> to vector<72x64xf32>
      %div3A_651 = arith.divf %sub3A_645, %div3A_650 : vector<72x64xf32>
      %mul3A_652 = vector.broadcast %get3A_591 : vector<1x64xf32> to vector<72x64xf32>
      %mul3A_653 = arith.mulf %div3A_651, %mul3A_652 : vector<72x64xf32>
      %add3A_654 = vector.broadcast %get3A_594 : vector<1x64xf32> to vector<72x64xf32>
      %add3A_655 = arith.addf %mul3A_653, %add3A_654 : vector<72x64xf32>
      %custom_jvp_call3A_656 = arith.constant 0.000000e+00 : f32
      %max3A_657 = vector.broadcast %custom_jvp_call3A_656 : f32 to vector<72x64xf32>
      %max3A_658 = arith.maximumf %add3A_655, %max3A_657 : vector<72x64xf32>
      %sub3A_659 = vector.broadcast %custom_jvp_call3A_656 : f32 to vector<72x64xf32>
      %sub3A_660 = arith.subf %add3A_655, %sub3A_659 : vector<72x64xf32>
      %ne3A_661 = arith.cmpf one, %sub3A_660, %sub3A_660 : vector<72x64xf32>
      %add3A_662 = vector.broadcast %custom_jvp_call3A_656 : f32 to vector<72x64xf32>
      %add3A_663 = arith.addf %add3A_655, %add3A_662 : vector<72x64xf32>
      %abs3A_664 = math.absf %sub3A_660 : vector<72x64xf32>
      %neg3A_665 = arith.constant 0.000000e+00 : f32
      %neg3A_666 = vector.broadcast %neg3A_665 : f32 to vector<72x64xf32>
      %neg3A_667 = arith.subf %neg3A_666, %abs3A_664 : vector<72x64xf32>
      %exp3A_668 = math.exp %neg3A_667 : vector<72x64xf32>
      %log1p3A_669 = math.log1p %exp3A_668 : vector<72x64xf32>
      %add3A_670 = arith.addf %max3A_658, %log1p3A_669 : vector<72x64xf32>
      %select_n3A_671 = arith.select %ne3A_661, %add3A_663, %add3A_670 : vector<72x64xi1>, vector<72x64xf32>
      %tanh3A_672 = math.tanh %select_n3A_671 : vector<72x64xf32>
      %mul3A_673 = arith.mulf %add3A_655, %tanh3A_672 : vector<72x64xf32>
      %convert_element_type3A_674 = arith.truncf %mul3A_673 : vector<72x64xf32> to vector<72x64xbf16>
      %convert_element_type3A_675 = arith.truncf %get3A_597 : vector<64x64xf32> to vector<64x64xbf16>
      %dot_general3A_676 = arith.constant dense<0.000000e+00> : vector<72x64xf32>
      %dot_general3A_677 = tpu.matmul %convert_element_type3A_674, %convert_element_type3A_675, %dot_general3A_676 {dimension_numbers = #tpu.dot_dimension_numbers<[1], [0], [0], [1], [0, 0, 1, 1], [], []>, transpose_lhs_hint = false} : vector<72x64xbf16>, vector<64x64xbf16>, vector<72x64xf32> -> vector<72x64xf32>
      %add3A_678 = vector.broadcast %get3A_600 : vector<1x64xf32> to vector<72x64xf32>
      %add3A_679 = arith.addf %dot_general3A_677, %add3A_678 : vector<72x64xf32>
      %swap3A_680 = arith.constant 0 : index
      %swap3A_681 = arith.constant 0 : index
      %swap3A_682 = vector.load %arg19[%swap3A_680, %swap3A_681] : memref<72x64xf32, #tpu.memory_space<vmem>>, vector<72x64xf32>
      tpu.vector_store %arg19[%swap3A_680, %swap3A_681], %add3A_679 {strides = array<i32>} : memref<72x64xf32, #tpu.memory_space<vmem>>, vector<72x64xf32>,
    } else {
    }
    %get3A = arith.constant 0 : index
    %get3A_2 = arith.constant 0 : index
    %get3A_3 = arith.constant 0 : index
    %get3A_4 = arith.constant 0 : index
    %get3A_5 = vector.load %arg3[%get3A, %get3A_2, %get3A_3, %get3A_4] : memref<1x8x64x1xi32, #tpu.memory_space<vmem>>, vector<1x8x64x1xi32>
    %get3A_6 = vector.shape_cast %get3A_5 : vector<1x8x64x1xi32> to vector<8x64x1xi32>
    %get3A_7 = arith.constant 0 : index
    %get3A_8 = arith.constant 0 : index
    %get3A_9 = arith.constant 0 : index
    %get3A_10 = arith.constant 0 : index
    %get3A_11 = vector.load %arg4[%get3A_7, %get3A_8, %get3A_9, %get3A_10] : memref<1x8x1x64xi32, #tpu.memory_space<vmem>>, vector<1x8x1x64xi32>
    %get3A_12 = vector.shape_cast %get3A_11 : vector<1x8x1x64xi32> to vector<8x1x64xi32>
    %eq3A_13 = arith.constant 0 : i32
    %eq3A_14 = arith.cmpi eq, %arg0, %eq3A_13 : i32
    %convert_element_type3A_15 = arith.extui %eq3A_14 : i1 to i32
    %cond3A_16 = arith.constant 0 : i32
    %cond3A_17 = arith.cmpi ne, %convert_element_type3A_15, %cond3A_16 : i32
    scf.if %cond3A_17 {
      %broadcast_in_dim3A_578 = arith.constant -1 : i32
      %broadcast_in_dim3A_579 = vector.broadcast %broadcast_in_dim3A_578 : i32 to vector<1x2xi32>
      %swap3A_580 = arith.constant 0 : index
      %swap3A_581 = arith.constant 0 : index
      %swap3A_582 = vector.load %arg20[%swap3A_580, %swap3A_581] : memref<1x2xi32, #tpu.memory_space<vmem>>, vector<1x2xi32>
      tpu.vector_store %arg20[%swap3A_580, %swap3A_581], %broadcast_in_dim3A_579 {strides = array<i32>} : memref<1x2xi32, #tpu.memory_space<vmem>>, vector<1x2xi32>,
    } else {
    }
    %eq3A_18 = vector.broadcast %get3A_6 : vector<8x64x1xi32> to vector<8x64x64xi32>
    %eq3A_19 = vector.broadcast %get3A_12 : vector<8x1x64xi32> to vector<8x64x64xi32>
    %eq3A_20 = arith.cmpi eq, %eq3A_18, %eq3A_19 : vector<8x64x64xi32>
    %iota3A = tpu.iota {dimensions = array<i32: 1>} : vector<8x64x64xi32>
    %iota3A_21 = tpu.iota {dimensions = array<i32: 2>} : vector<8x64x64xi32>
    %gt3A = arith.cmpi sgt, %iota3A, %iota3A_21 : vector<8x64x64xi32>
    %and3A = arith.andi %eq3A_20, %gt3A : vector<8x64x64xi1>
    %jit3A = arith.constant 1.000000e+00 : f32
    %jit3A_22 = arith.constant 0.000000e+00 : f32
    %broadcast_in_dim3A = vector.broadcast %jit3A : f32 to vector<8x64x64xf32>
    %broadcast_in_dim3A_23 = vector.broadcast %jit3A_22 : f32 to vector<8x64x64xf32>
    %select_n3A = arith.select %and3A, %broadcast_in_dim3A, %broadcast_in_dim3A_23 : vector<8x64x64xi1>, vector<8x64x64xf32>
    %reshape3A = vector.shape_cast %select_n3A : vector<8x64x64xf32> to vector<512x64xf32>
    %broadcast_in_dim3A_24 = arith.constant 1.000000e+00 : f32
    %broadcast_in_dim3A_25 = vector.broadcast %broadcast_in_dim3A_24 : f32 to vector<64x64xf32>
    %convert_element_type3A_26 = arith.truncf %reshape3A : vector<512x64xf32> to vector<512x64xbf16>
    %convert_element_type3A_27 = arith.truncf %broadcast_in_dim3A_25 : vector<64x64xf32> to vector<64x64xbf16>
    %dot_general3A = arith.constant dense<0.000000e+00> : vector<512x64xf32>
    %dot_general3A_28 = tpu.matmul %convert_element_type3A_26, %convert_element_type3A_27, %dot_general3A {dimension_numbers = #tpu.dot_dimension_numbers<[1], [0], [0], [1], [0, 0, 1, 1], [], []>, transpose_lhs_hint = false} : vector<512x64xbf16>, vector<64x64xbf16>, vector<512x64xf32> -> vector<512x64xf32>
    %convert_element_type3A_29 = arith.fptosi %dot_general3A_28 : vector<512x64xf32> to vector<512x64xi32>
    %reshape3A_30 = vector.shape_cast %get3A_6 : vector<8x64x1xi32> to vector<512x1xi32>
    %get3A_31 = arith.constant 0 : index
    %get3A_32 = arith.constant 0 : index
    %get3A_33 = vector.load %arg20[%get3A_31, %get3A_32] : memref<1x2xi32, #tpu.memory_space<vmem>>, vector<1x1xi32>
    %get3A_34 = arith.constant 0 : index
    %get3A_35 = arith.constant 1 : index
    %get3A_36 = vector.load %arg20[%get3A_34, %get3A_35] : memref<1x2xi32, #tpu.memory_space<vmem>>, vector<1x1xi32>
    %slice3A = vector.extract_strided_slice %reshape3A_30 {offsets = [63, 0], sizes = [1, 1], strides = [1, 1]} : vector<512x1xi32> to vector<1x1xi32>
    %slice3A_37 = vector.extract_strided_slice %convert_element_type3A_29 {offsets = [63, 0], sizes = [1, 1], strides = [1, 1]} : vector<512x64xi32> to vector<1x1xi32>
    %eq3A_38 = arith.cmpi eq, %slice3A, %get3A_33 : vector<1x1xi32>
    %add3A = arith.constant 1 : i32
    %add3A_39 = vector.broadcast %add3A : i32 to vector<1x1xi32>
    %add3A_40 = arith.addi %get3A_36, %add3A_39 : vector<1x1xi32>
    %jit3A_41 = arith.constant 0 : i32
    %broadcast_in_dim3A_42 = vector.broadcast %jit3A_41 : i32 to vector<1x1xi32>
    %select_n3A_43 = arith.select %eq3A_38, %add3A_40, %broadcast_in_dim3A_42 : vector<1x1xi1>, vector<1x1xi32>
    %add3A_44 = arith.addi %slice3A_37, %select_n3A_43 : vector<1x1xi32>
    %slice3A_45 = vector.extract_strided_slice %reshape3A_30 {offsets = [127, 0], sizes = [1, 1], strides = [1, 1]} : vector<512x1xi32> to vector<1x1xi32>
    %slice3A_46 = vector.extract_strided_slice %convert_element_type3A_29 {offsets = [127, 0], sizes = [1, 1], strides = [1, 1]} : vector<512x64xi32> to vector<1x1xi32>
    %eq3A_47 = arith.cmpi eq, %slice3A_45, %slice3A : vector<1x1xi32>
    %add3A_48 = arith.constant 1 : i32
    %add3A_49 = vector.broadcast %add3A_48 : i32 to vector<1x1xi32>
    %add3A_50 = arith.addi %add3A_44, %add3A_49 : vector<1x1xi32>
    %jit3A_51 = arith.constant 0 : i32
    %broadcast_in_dim3A_52 = vector.broadcast %jit3A_51 : i32 to vector<1x1xi32>
    %select_n3A_53 = arith.select %eq3A_47, %add3A_50, %broadcast_in_dim3A_52 : vector<1x1xi1>, vector<1x1xi32>
    %add3A_54 = arith.addi %slice3A_46, %select_n3A_53 : vector<1x1xi32>
    %slice3A_55 = vector.extract_strided_slice %reshape3A_30 {offsets = [191, 0], sizes = [1, 1], strides = [1, 1]} : vector<512x1xi32> to vector<1x1xi32>
    %slice3A_56 = vector.extract_strided_slice %convert_element_type3A_29 {offsets = [191, 0], sizes = [1, 1], strides = [1, 1]} : vector<512x64xi32> to vector<1x1xi32>
    %eq3A_57 = arith.cmpi eq, %slice3A_55, %slice3A_45 : vector<1x1xi32>
    %add3A_58 = arith.constant 1 : i32
    %add3A_59 = vector.broadcast %add3A_58 : i32 to vector<1x1xi32>
    %add3A_60 = arith.addi %add3A_54, %add3A_59 : vector<1x1xi32>
    %jit3A_61 = arith.constant 0 : i32
    %broadcast_in_dim3A_62 = vector.broadcast %jit3A_61 : i32 to vector<1x1xi32>
    %select_n3A_63 = arith.select %eq3A_57, %add3A_60, %broadcast_in_dim3A_62 : vector<1x1xi1>, vector<1x1xi32>
    %add3A_64 = arith.addi %slice3A_56, %select_n3A_63 : vector<1x1xi32>
    %slice3A_65 = vector.extract_strided_slice %reshape3A_30 {offsets = [255, 0], sizes = [1, 1], strides = [1, 1]} : vector<512x1xi32> to vector<1x1xi32>
    %slice3A_66 = vector.extract_strided_slice %convert_element_type3A_29 {offsets = [255, 0], sizes = [1, 1], strides = [1, 1]} : vector<512x64xi32> to vector<1x1xi32>
    %eq3A_67 = arith.cmpi eq, %slice3A_65, %slice3A_55 : vector<1x1xi32>
    %add3A_68 = arith.constant 1 : i32
    %add3A_69 = vector.broadcast %add3A_68 : i32 to vector<1x1xi32>
    %add3A_70 = arith.addi %add3A_64, %add3A_69 : vector<1x1xi32>
    %jit3A_71 = arith.constant 0 : i32
    %broadcast_in_dim3A_72 = vector.broadcast %jit3A_71 : i32 to vector<1x1xi32>
    %select_n3A_73 = arith.select %eq3A_67, %add3A_70, %broadcast_in_dim3A_72 : vector<1x1xi1>, vector<1x1xi32>
    %add3A_74 = arith.addi %slice3A_66, %select_n3A_73 : vector<1x1xi32>
    %slice3A_75 = vector.extract_strided_slice %reshape3A_30 {offsets = [319, 0], sizes = [1, 1], strides = [1, 1]} : vector<512x1xi32> to vector<1x1xi32>
    %slice3A_76 = vector.extract_strided_slice %convert_element_type3A_29 {offsets = [319, 0], sizes = [1, 1], strides = [1, 1]} : vector<512x64xi32> to vector<1x1xi32>
    %eq3A_77 = arith.cmpi eq, %slice3A_75, %slice3A_65 : vector<1x1xi32>
    %add3A_78 = arith.constant 1 : i32
    %add3A_79 = vector.broadcast %add3A_78 : i32 to vector<1x1xi32>
    %add3A_80 = arith.addi %add3A_74, %add3A_79 : vector<1x1xi32>
    %jit3A_81 = arith.constant 0 : i32
    %broadcast_in_dim3A_82 = vector.broadcast %jit3A_81 : i32 to vector<1x1xi32>
    %select_n3A_83 = arith.select %eq3A_77, %add3A_80, %broadcast_in_dim3A_82 : vector<1x1xi1>, vector<1x1xi32>
    %add3A_84 = arith.addi %slice3A_76, %select_n3A_83 : vector<1x1xi32>
    %slice3A_85 = vector.extract_strided_slice %reshape3A_30 {offsets = [383, 0], sizes = [1, 1], strides = [1, 1]} : vector<512x1xi32> to vector<1x1xi32>
    %slice3A_86 = vector.extract_strided_slice %convert_element_type3A_29 {offsets = [383, 0], sizes = [1, 1], strides = [1, 1]} : vector<512x64xi32> to vector<1x1xi32>
    %eq3A_87 = arith.cmpi eq, %slice3A_85, %slice3A_75 : vector<1x1xi32>
    %add3A_88 = arith.constant 1 : i32
    %add3A_89 = vector.broadcast %add3A_88 : i32 to vector<1x1xi32>
    %add3A_90 = arith.addi %add3A_84, %add3A_89 : vector<1x1xi32>
    %jit3A_91 = arith.constant 0 : i32
    %broadcast_in_dim3A_92 = vector.broadcast %jit3A_91 : i32 to vector<1x1xi32>
    %select_n3A_93 = arith.select %eq3A_87, %add3A_90, %broadcast_in_dim3A_92 : vector<1x1xi1>, vector<1x1xi32>
    %add3A_94 = arith.addi %slice3A_86, %select_n3A_93 : vector<1x1xi32>
    %slice3A_95 = vector.extract_strided_slice %reshape3A_30 {offsets = [447, 0], sizes = [1, 1], strides = [1, 1]} : vector<512x1xi32> to vector<1x1xi32>
    %slice3A_96 = vector.extract_strided_slice %convert_element_type3A_29 {offsets = [447, 0], sizes = [1, 1], strides = [1, 1]} : vector<512x64xi32> to vector<1x1xi32>
    %eq3A_97 = arith.cmpi eq, %slice3A_95, %slice3A_85 : vector<1x1xi32>
    %add3A_98 = arith.constant 1 : i32
    %add3A_99 = vector.broadcast %add3A_98 : i32 to vector<1x1xi32>
    %add3A_100 = arith.addi %add3A_94, %add3A_99 : vector<1x1xi32>
    %jit3A_101 = arith.constant 0 : i32
    %broadcast_in_dim3A_102 = vector.broadcast %jit3A_101 : i32 to vector<1x1xi32>
    %select_n3A_103 = arith.select %eq3A_97, %add3A_100, %broadcast_in_dim3A_102 : vector<1x1xi1>, vector<1x1xi32>
    %add3A_104 = arith.addi %slice3A_96, %select_n3A_103 : vector<1x1xi32>
    %slice3A_105 = vector.extract_strided_slice %reshape3A_30 {offsets = [511, 0], sizes = [1, 1], strides = [1, 1]} : vector<512x1xi32> to vector<1x1xi32>
    %slice3A_106 = vector.extract_strided_slice %convert_element_type3A_29 {offsets = [511, 0], sizes = [1, 1], strides = [1, 1]} : vector<512x64xi32> to vector<1x1xi32>
    %eq3A_107 = arith.cmpi eq, %slice3A_105, %slice3A_95 : vector<1x1xi32>
    %add3A_108 = arith.constant 1 : i32
    %add3A_109 = vector.broadcast %add3A_108 : i32 to vector<1x1xi32>
    %add3A_110 = arith.addi %add3A_104, %add3A_109 : vector<1x1xi32>
    %jit3A_111 = arith.constant 0 : i32
    %broadcast_in_dim3A_112 = vector.broadcast %jit3A_111 : i32 to vector<1x1xi32>
    %select_n3A_113 = arith.select %eq3A_107, %add3A_110, %broadcast_in_dim3A_112 : vector<1x1xi1>, vector<1x1xi32>
    %add3A_114 = arith.addi %slice3A_106, %select_n3A_113 : vector<1x1xi32>
    %concatenate3A = tpu.concatenate %slice3A_105, %add3A_114 in 1 : vector<1x1xi32>, vector<1x1xi32> -> vector<1x2xi32>
    %swap3A = arith.constant 0 : index
    %swap3A_115 = arith.constant 0 : index
    %swap3A_116 = vector.load %arg20[%swap3A, %swap3A_115] : memref<1x2xi32, #tpu.memory_space<vmem>>, vector<1x2xi32>
    tpu.vector_store %arg20[%swap3A, %swap3A_115], %concatenate3A {strides = array<i32>} : memref<1x2xi32, #tpu.memory_space<vmem>>, vector<1x2xi32>,
    %slice3A_117 = vector.extract_strided_slice %reshape3A_30 {offsets = [0, 0], sizes = [64, 1], strides = [1, 1]} : vector<512x1xi32> to vector<64x1xi32>
    %eq3A_118 = vector.broadcast %get3A_33 : vector<1x1xi32> to vector<64x1xi32>
    %eq3A_119 = arith.cmpi eq, %slice3A_117, %eq3A_118 : vector<64x1xi32>
    %add3A_120 = arith.constant 1 : i32
    %add3A_121 = vector.broadcast %add3A_120 : i32 to vector<1x1xi32>
    %add3A_122 = arith.addi %get3A_36, %add3A_121 : vector<1x1xi32>
    %jit3A_123 = arith.constant 0 : i32
    %broadcast_in_dim3A_124 = vector.shape_cast %add3A_122 : vector<1x1xi32> to vector<1x1xi32>
    %broadcast_in_dim3A_125 = vector.broadcast %broadcast_in_dim3A_124 : vector<1x1xi32> to vector<64x1xi32>
    %broadcast_in_dim3A_126 = vector.broadcast %jit3A_123 : i32 to vector<64x1xi32>
    %select_n3A_127 = arith.select %eq3A_119, %broadcast_in_dim3A_125, %broadcast_in_dim3A_126 : vector<64x1xi1>, vector<64x1xi32>
    %slice3A_128 = vector.extract_strided_slice %reshape3A_30 {offsets = [64, 0], sizes = [64, 1], strides = [1, 1]} : vector<512x1xi32> to vector<64x1xi32>
    %eq3A_129 = vector.broadcast %slice3A : vector<1x1xi32> to vector<64x1xi32>
    %eq3A_130 = arith.cmpi eq, %slice3A_128, %eq3A_129 : vector<64x1xi32>
    %add3A_131 = arith.constant 1 : i32
    %add3A_132 = vector.broadcast %add3A_131 : i32 to vector<1x1xi32>
    %add3A_133 = arith.addi %add3A_44, %add3A_132 : vector<1x1xi32>
    %jit3A_134 = arith.constant 0 : i32
    %broadcast_in_dim3A_135 = vector.shape_cast %add3A_133 : vector<1x1xi32> to vector<1x1xi32>
    %broadcast_in_dim3A_136 = vector.broadcast %broadcast_in_dim3A_135 : vector<1x1xi32> to vector<64x1xi32>
    %broadcast_in_dim3A_137 = vector.broadcast %jit3A_134 : i32 to vector<64x1xi32>
    %select_n3A_138 = arith.select %eq3A_130, %broadcast_in_dim3A_136, %broadcast_in_dim3A_137 : vector<64x1xi1>, vector<64x1xi32>
    %slice3A_139 = vector.extract_strided_slice %reshape3A_30 {offsets = [128, 0], sizes = [64, 1], strides = [1, 1]} : vector<512x1xi32> to vector<64x1xi32>
    %eq3A_140 = vector.broadcast %slice3A_45 : vector<1x1xi32> to vector<64x1xi32>
    %eq3A_141 = arith.cmpi eq, %slice3A_139, %eq3A_140 : vector<64x1xi32>
    %add3A_142 = arith.constant 1 : i32
    %add3A_143 = vector.broadcast %add3A_142 : i32 to vector<1x1xi32>
    %add3A_144 = arith.addi %add3A_54, %add3A_143 : vector<1x1xi32>
    %jit3A_145 = arith.constant 0 : i32
    %broadcast_in_dim3A_146 = vector.shape_cast %add3A_144 : vector<1x1xi32> to vector<1x1xi32>
    %broadcast_in_dim3A_147 = vector.broadcast %broadcast_in_dim3A_146 : vector<1x1xi32> to vector<64x1xi32>
    %broadcast_in_dim3A_148 = vector.broadcast %jit3A_145 : i32 to vector<64x1xi32>
    %select_n3A_149 = arith.select %eq3A_141, %broadcast_in_dim3A_147, %broadcast_in_dim3A_148 : vector<64x1xi1>, vector<64x1xi32>
    %slice3A_150 = vector.extract_strided_slice %reshape3A_30 {offsets = [192, 0], sizes = [64, 1], strides = [1, 1]} : vector<512x1xi32> to vector<64x1xi32>
    %eq3A_151 = vector.broadcast %slice3A_55 : vector<1x1xi32> to vector<64x1xi32>
    %eq3A_152 = arith.cmpi eq, %slice3A_150, %eq3A_151 : vector<64x1xi32>
    %add3A_153 = arith.constant 1 : i32
    %add3A_154 = vector.broadcast %add3A_153 : i32 to vector<1x1xi32>
    %add3A_155 = arith.addi %add3A_64, %add3A_154 : vector<1x1xi32>
    %jit3A_156 = arith.constant 0 : i32
    %broadcast_in_dim3A_157 = vector.shape_cast %add3A_155 : vector<1x1xi32> to vector<1x1xi32>
    %broadcast_in_dim3A_158 = vector.broadcast %broadcast_in_dim3A_157 : vector<1x1xi32> to vector<64x1xi32>
    %broadcast_in_dim3A_159 = vector.broadcast %jit3A_156 : i32 to vector<64x1xi32>
    %select_n3A_160 = arith.select %eq3A_152, %broadcast_in_dim3A_158, %broadcast_in_dim3A_159 : vector<64x1xi1>, vector<64x1xi32>
    %slice3A_161 = vector.extract_strided_slice %reshape3A_30 {offsets = [256, 0], sizes = [64, 1], strides = [1, 1]} : vector<512x1xi32> to vector<64x1xi32>
    %eq3A_162 = vector.broadcast %slice3A_65 : vector<1x1xi32> to vector<64x1xi32>
    %eq3A_163 = arith.cmpi eq, %slice3A_161, %eq3A_162 : vector<64x1xi32>
    %add3A_164 = arith.constant 1 : i32
    %add3A_165 = vector.broadcast %add3A_164 : i32 to vector<1x1xi32>
    %add3A_166 = arith.addi %add3A_74, %add3A_165 : vector<1x1xi32>
    %jit3A_167 = arith.constant 0 : i32
    %broadcast_in_dim3A_168 = vector.shape_cast %add3A_166 : vector<1x1xi32> to vector<1x1xi32>
    %broadcast_in_dim3A_169 = vector.broadcast %broadcast_in_dim3A_168 : vector<1x1xi32> to vector<64x1xi32>
    %broadcast_in_dim3A_170 = vector.broadcast %jit3A_167 : i32 to vector<64x1xi32>
    %select_n3A_171 = arith.select %eq3A_163, %broadcast_in_dim3A_169, %broadcast_in_dim3A_170 : vector<64x1xi1>, vector<64x1xi32>
    %slice3A_172 = vector.extract_strided_slice %reshape3A_30 {offsets = [320, 0], sizes = [64, 1], strides = [1, 1]} : vector<512x1xi32> to vector<64x1xi32>
    %eq3A_173 = vector.broadcast %slice3A_75 : vector<1x1xi32> to vector<64x1xi32>
    %eq3A_174 = arith.cmpi eq, %slice3A_172, %eq3A_173 : vector<64x1xi32>
    %add3A_175 = arith.constant 1 : i32
    %add3A_176 = vector.broadcast %add3A_175 : i32 to vector<1x1xi32>
    %add3A_177 = arith.addi %add3A_84, %add3A_176 : vector<1x1xi32>
    %jit3A_178 = arith.constant 0 : i32
    %broadcast_in_dim3A_179 = vector.shape_cast %add3A_177 : vector<1x1xi32> to vector<1x1xi32>
    %broadcast_in_dim3A_180 = vector.broadcast %broadcast_in_dim3A_179 : vector<1x1xi32> to vector<64x1xi32>
    %broadcast_in_dim3A_181 = vector.broadcast %jit3A_178 : i32 to vector<64x1xi32>
    %select_n3A_182 = arith.select %eq3A_174, %broadcast_in_dim3A_180, %broadcast_in_dim3A_181 : vector<64x1xi1>, vector<64x1xi32>
    %slice3A_183 = vector.extract_strided_slice %reshape3A_30 {offsets = [384, 0], sizes = [64, 1], strides = [1, 1]} : vector<512x1xi32> to vector<64x1xi32>
    %eq3A_184 = vector.broadcast %slice3A_85 : vector<1x1xi32> to vector<64x1xi32>
    %eq3A_185 = arith.cmpi eq, %slice3A_183, %eq3A_184 : vector<64x1xi32>
    %add3A_186 = arith.constant 1 : i32
    %add3A_187 = vector.broadcast %add3A_186 : i32 to vector<1x1xi32>
    %add3A_188 = arith.addi %add3A_94, %add3A_187 : vector<1x1xi32>
    %jit3A_189 = arith.constant 0 : i32
    %broadcast_in_dim3A_190 = vector.shape_cast %add3A_188 : vector<1x1xi32> to vector<1x1xi32>
    %broadcast_in_dim3A_191 = vector.broadcast %broadcast_in_dim3A_190 : vector<1x1xi32> to vector<64x1xi32>
    %broadcast_in_dim3A_192 = vector.broadcast %jit3A_189 : i32 to vector<64x1xi32>
    %select_n3A_193 = arith.select %eq3A_185, %broadcast_in_dim3A_191, %broadcast_in_dim3A_192 : vector<64x1xi1>, vector<64x1xi32>
    %slice3A_194 = vector.extract_strided_slice %reshape3A_30 {offsets = [448, 0], sizes = [64, 1], strides = [1, 1]} : vector<512x1xi32> to vector<64x1xi32>
    %eq3A_195 = vector.broadcast %slice3A_95 : vector<1x1xi32> to vector<64x1xi32>
    %eq3A_196 = arith.cmpi eq, %slice3A_194, %eq3A_195 : vector<64x1xi32>
    %add3A_197 = arith.constant 1 : i32
    %add3A_198 = vector.broadcast %add3A_197 : i32 to vector<1x1xi32>
    %add3A_199 = arith.addi %add3A_104, %add3A_198 : vector<1x1xi32>
    %jit3A_200 = arith.constant 0 : i32
    %broadcast_in_dim3A_201 = vector.shape_cast %add3A_199 : vector<1x1xi32> to vector<1x1xi32>
    %broadcast_in_dim3A_202 = vector.broadcast %broadcast_in_dim3A_201 : vector<1x1xi32> to vector<64x1xi32>
    %broadcast_in_dim3A_203 = vector.broadcast %jit3A_200 : i32 to vector<64x1xi32>
    %select_n3A_204 = arith.select %eq3A_196, %broadcast_in_dim3A_202, %broadcast_in_dim3A_203 : vector<64x1xi1>, vector<64x1xi32>
    %concatenate3A_205 = tpu.concatenate %select_n3A_127, %select_n3A_138, %select_n3A_149, %select_n3A_160, %select_n3A_171, %select_n3A_182, %select_n3A_193, %select_n3A_204 in 0 : vector<64x1xi32>, vector<64x1xi32>, vector<64x1xi32>, vector<64x1xi32>, vector<64x1xi32>, vector<64x1xi32>, vector<64x1xi32>, vector<64x1xi32> -> vector<512x1xi32>
    %add3A_206 = vector.broadcast %concatenate3A_205 : vector<512x1xi32> to vector<512x64xi32>
    %add3A_207 = arith.addi %convert_element_type3A_29, %add3A_206 : vector<512x64xi32>
    %get3A_208 = arith.constant 0 : index
    %get3A_209 = arith.constant 0 : index
    %get3A_210 = vector.load %arg2[%get3A_208, %get3A_209] : memref<512x64xf32, #tpu.memory_space<vmem>>, vector<512x64xf32>
    %get3A_211 = arith.constant 0 : index
    %get3A_212 = arith.constant 0 : index
    %get3A_213 = vector.load %arg5[%get3A_211, %get3A_212] : memref<64x64xf32, #tpu.memory_space<vmem>>, vector<64x64xf32>
    %convert_element_type3A_214 = arith.truncf %get3A_210 : vector<512x64xf32> to vector<512x64xbf16>
    %convert_element_type3A_215 = arith.truncf %get3A_213 : vector<64x64xf32> to vector<64x64xbf16>
    %dot_general3A_216 = arith.constant dense<0.000000e+00> : vector<512x64xf32>
    %dot_general3A_217 = tpu.matmul %convert_element_type3A_214, %convert_element_type3A_215, %dot_general3A_216 {dimension_numbers = #tpu.dot_dimension_numbers<[1], [0], [0], [1], [0, 0, 1, 1], [], []>, transpose_lhs_hint = false} : vector<512x64xbf16>, vector<64x64xbf16>, vector<512x64xf32> -> vector<512x64xf32>
    %get3A_218 = arith.constant 0 : index
    %get3A_219 = arith.constant 0 : index
    %get3A_220 = vector.load %arg6[%get3A_218, %get3A_219] : memref<1x64xf32, #tpu.memory_space<vmem>>, vector<1x64xf32>
    %add3A_221 = vector.broadcast %get3A_220 : vector<1x64xf32> to vector<512x64xf32>
    %add3A_222 = arith.addf %dot_general3A_217, %add3A_221 : vector<512x64xf32>
    %get3A_223 = arith.constant 0 : index
    %get3A_224 = arith.constant 0 : index
    %get3A_225 = vector.load %arg7[%get3A_223, %get3A_224] : memref<1x64xf32, #tpu.memory_space<vmem>>, vector<1x64xf32>
    %get3A_226 = arith.constant 0 : index
    %get3A_227 = arith.constant 0 : index
    %get3A_228 = vector.load %arg8[%get3A_226, %get3A_227] : memref<1x64xf32, #tpu.memory_space<vmem>>, vector<1x64xf32>
    %reduce_sum3A = arith.constant dense<0.000000e+00> : vector<512xf32>
    %reduce_sum3A_229 = vector.multi_reduction <add>, %add3A_222, %reduce_sum3A [1] : vector<512x64xf32> to vector<512xf32>
    %broadcast_in_dim3A_230 = vector.shape_cast %reduce_sum3A_229 : vector<512xf32> to vector<512x1xf32>
    %div3A = arith.constant 6.400000e+01 : f32
    %div3A_231 = vector.broadcast %div3A : f32 to vector<512x1xf32>
    %div3A_232 = arith.divf %broadcast_in_dim3A_230, %div3A_231 : vector<512x1xf32>
    %jit3A_233 = arith.constant 0 : i32
    %reduce_sum3A_234 = arith.constant dense<0.000000e+00> : vector<512xf32>
    %reduce_sum3A_235 = vector.multi_reduction <add>, %add3A_222, %reduce_sum3A_234 [1] : vector<512x64xf32> to vector<512xf32>
    %broadcast_in_dim3A_236 = vector.shape_cast %reduce_sum3A_235 : vector<512xf32> to vector<512x1xf32>
    %div3A_237 = arith.constant 6.400000e+01 : f32
    %div3A_238 = vector.broadcast %div3A_237 : f32 to vector<512x1xf32>
    %div3A_239 = arith.divf %broadcast_in_dim3A_236, %div3A_238 : vector<512x1xf32>
    %sub3A = vector.broadcast %div3A_239 : vector<512x1xf32> to vector<512x64xf32>
    %sub3A_240 = arith.subf %add3A_222, %sub3A : vector<512x64xf32>
    %square3A = arith.mulf %sub3A_240, %sub3A_240 : vector<512x64xf32>
    %convert_element_type3A_241 = arith.sitofp %jit3A_233 : i32 to f32
    %sub3A_242 = arith.constant 6.400000e+01 : f32
    %sub3A_243 = arith.subf %sub3A_242, %convert_element_type3A_241 : f32
    %reduce_sum3A_244 = arith.constant dense<0.000000e+00> : vector<512xf32>
    %reduce_sum3A_245 = vector.multi_reduction <add>, %square3A, %reduce_sum3A_244 [1] : vector<512x64xf32> to vector<512xf32>
    %broadcast_in_dim3A_246 = vector.shape_cast %reduce_sum3A_245 : vector<512xf32> to vector<512x1xf32>
    %div3A_247 = vector.broadcast %sub3A_243 : f32 to vector<512x1xf32>
    %div3A_248 = arith.divf %broadcast_in_dim3A_246, %div3A_247 : vector<512x1xf32>
    %gt3A_249 = arith.constant 0.000000e+00 : f32
    %gt3A_250 = arith.cmpf ogt, %sub3A_243, %gt3A_249 : f32
    %jit3A_251 = arith.constant 0x7FC00000 : f32
    %broadcast_in_dim3A_252 = vector.broadcast %jit3A_251 : f32 to vector<512x1xf32>
    %select_n3A_253 = arith.select %gt3A_250, %div3A_248, %broadcast_in_dim3A_252 : vector<512x1xf32>
    %sub3A_254 = vector.broadcast %div3A_232 : vector<512x1xf32> to vector<512x64xf32>
    %sub3A_255 = arith.subf %add3A_222, %sub3A_254 : vector<512x64xf32>
    %add3A_256 = arith.constant 9.99999974E-6 : f32
    %add3A_257 = vector.broadcast %add3A_256 : f32 to vector<512x1xf32>
    %add3A_258 = arith.addf %select_n3A_253, %add3A_257 : vector<512x1xf32>
    %sqrt3A = math.sqrt %add3A_258 : vector<512x1xf32>
    %div3A_259 = vector.broadcast %sqrt3A : vector<512x1xf32> to vector<512x64xf32>
    %div3A_260 = arith.divf %sub3A_255, %div3A_259 : vector<512x64xf32>
    %mul3A = vector.broadcast %get3A_225 : vector<1x64xf32> to vector<512x64xf32>
    %mul3A_261 = arith.mulf %div3A_260, %mul3A : vector<512x64xf32>
    %add3A_262 = vector.broadcast %get3A_228 : vector<1x64xf32> to vector<512x64xf32>
    %add3A_263 = arith.addf %mul3A_261, %add3A_262 : vector<512x64xf32>
    %custom_jvp_call3A = arith.constant 0.000000e+00 : f32
    %max3A = vector.broadcast %custom_jvp_call3A : f32 to vector<512x64xf32>
    %max3A_264 = arith.maximumf %add3A_263, %max3A : vector<512x64xf32>
    %sub3A_265 = vector.broadcast %custom_jvp_call3A : f32 to vector<512x64xf32>
    %sub3A_266 = arith.subf %add3A_263, %sub3A_265 : vector<512x64xf32>
    %ne3A = arith.cmpf one, %sub3A_266, %sub3A_266 : vector<512x64xf32>
    %add3A_267 = vector.broadcast %custom_jvp_call3A : f32 to vector<512x64xf32>
    %add3A_268 = arith.addf %add3A_263, %add3A_267 : vector<512x64xf32>
    %abs3A = math.absf %sub3A_266 : vector<512x64xf32>
    %neg3A = arith.constant 0.000000e+00 : f32
    %neg3A_269 = vector.broadcast %neg3A : f32 to vector<512x64xf32>
    %neg3A_270 = arith.subf %neg3A_269, %abs3A : vector<512x64xf32>
    %exp3A = math.exp %neg3A_270 : vector<512x64xf32>
    %log1p3A = math.log1p %exp3A : vector<512x64xf32>
    %add3A_271 = arith.addf %max3A_264, %log1p3A : vector<512x64xf32>
    %select_n3A_272 = arith.select %ne3A, %add3A_268, %add3A_271 : vector<512x64xi1>, vector<512x64xf32>
    %tanh3A = math.tanh %select_n3A_272 : vector<512x64xf32>
    %mul3A_273 = arith.mulf %add3A_263, %tanh3A : vector<512x64xf32>
    %get3A_274 = arith.constant 0 : index
    %get3A_275 = arith.constant 0 : index
    %get3A_276 = vector.load %arg9[%get3A_274, %get3A_275] : memref<64x64xf32, #tpu.memory_space<vmem>>, vector<64x64xf32>
    %convert_element_type3A_277 = arith.truncf %mul3A_273 : vector<512x64xf32> to vector<512x64xbf16>
    %convert_element_type3A_278 = arith.truncf %get3A_276 : vector<64x64xf32> to vector<64x64xbf16>
    %dot_general3A_279 = arith.constant dense<0.000000e+00> : vector<512x64xf32>
    %dot_general3A_280 = tpu.matmul %convert_element_type3A_277, %convert_element_type3A_278, %dot_general3A_279 {dimension_numbers = #tpu.dot_dimension_numbers<[1], [0], [0], [1], [0, 0, 1, 1], [], []>, transpose_lhs_hint = false} : vector<512x64xbf16>, vector<64x64xbf16>, vector<512x64xf32> -> vector<512x64xf32>
    %get3A_281 = arith.constant 0 : index
    %get3A_282 = arith.constant 0 : index
    %get3A_283 = vector.load %arg10[%get3A_281, %get3A_282] : memref<1x64xf32, #tpu.memory_space<vmem>>, vector<1x64xf32>
    %add3A_284 = vector.broadcast %get3A_283 : vector<1x64xf32> to vector<512x64xf32>
    %add3A_285 = arith.addf %dot_general3A_280, %add3A_284 : vector<512x64xf32>
    %iota3A_286 = tpu.iota {dimensions = array<i32: 1>} : vector<512x64xi32>
    %eq3A_287 = arith.cmpi eq, %add3A_207, %iota3A_286 : vector<512x64xi32>
    %convert_element_type3A_288 = arith.extui %eq3A_287 : vector<512x64xi1> to vector<512x64xi32>
    %convert_element_type3A_289 = arith.sitofp %convert_element_type3A_288 : vector<512x64xi32> to vector<512x64xf32>
    %get3A_290 = arith.constant 0 : index
    %get3A_291 = arith.constant 0 : index
    %get3A_292 = vector.load %arg19[%get3A_290, %get3A_291] : memref<72x64xf32, #tpu.memory_space<vmem>>, vector<64x64xf32>
    %convert_element_type3A_293 = arith.truncf %convert_element_type3A_289 : vector<512x64xf32> to vector<512x64xbf16>
    %convert_element_type3A_294 = arith.truncf %get3A_292 : vector<64x64xf32> to vector<64x64xbf16>
    %dot_general3A_295 = arith.constant dense<0.000000e+00> : vector<512x64xf32>
    %dot_general3A_296 = tpu.matmul %convert_element_type3A_293, %convert_element_type3A_294, %dot_general3A_295 {dimension_numbers = #tpu.dot_dimension_numbers<[1], [0], [0], [1], [0, 0, 1, 1], [], []>, transpose_lhs_hint = false} : vector<512x64xbf16>, vector<64x64xbf16>, vector<512x64xf32> -> vector<512x64xf32>
    %get3A_297 = arith.constant 64 : index
    %get3A_298 = arith.constant 0 : index
    %get3A_299 = vector.load %arg19[%get3A_297, %get3A_298] : memref<72x64xf32, #tpu.memory_space<vmem>>, vector<1x64xf32>
    %ge3A = arith.constant 64 : i32
    %ge3A_300 = vector.broadcast %ge3A : i32 to vector<512x64xi32>
    %ge3A_301 = arith.cmpi sge, %add3A_207, %ge3A_300 : vector<512x64xi32>
    %jit3A_302 = arith.constant 1.000000e+00 : f32
    %jit3A_303 = arith.constant 0.000000e+00 : f32
    %broadcast_in_dim3A_304 = vector.broadcast %jit3A_302 : f32 to vector<512x64xf32>
    %broadcast_in_dim3A_305 = vector.broadcast %jit3A_303 : f32 to vector<512x64xf32>
    %select_n3A_306 = arith.select %ge3A_301, %broadcast_in_dim3A_304, %broadcast_in_dim3A_305 : vector<512x64xi1>, vector<512x64xf32>
    %mul3A_307 = vector.broadcast %get3A_299 : vector<1x64xf32> to vector<512x64xf32>
    %mul3A_308 = arith.mulf %select_n3A_306, %mul3A_307 : vector<512x64xf32>
    %add3A_309 = arith.addf %dot_general3A_296, %mul3A_308 : vector<512x64xf32>
    %mul3A_310 = arith.mulf %add3A_285, %add3A_309 : vector<512x64xf32>
    %get3A_311 = arith.constant 0 : index
    %get3A_312 = arith.constant 0 : index
    %get3A_313 = vector.load %arg17[%get3A_311, %get3A_312] : memref<1x64xf32, #tpu.memory_space<vmem>>, vector<1x64xf32>
    %add3A_314 = vector.broadcast %get3A_313 : vector<1x64xf32> to vector<512x64xf32>
    %add3A_315 = arith.addf %mul3A_310, %add3A_314 : vector<512x64xf32>
    %mul3A_316 = arith.constant 8 : i32
    %mul3A_317 = arith.muli %arg0, %mul3A_316 : i32
    %add3A_318 = arith.constant 0 : i32
    %add3A_319 = arith.addi %mul3A_317, %add3A_318 : i32
    %get3A_320 = arith.index_cast %add3A_319 : i32 to index
    %get3A_321 = memref.load %arg1[%get3A_320] : memref<4096xi32, #tpu.memory_space<smem>>
    %and3A_322 = arith.constant -8 : i32
    %and3A_323 = arith.andi %get3A_321, %and3A_322 : i32
    %slice3A_324 = vector.extract_strided_slice %get3A_12 {offsets = [0, 0, 0], sizes = [1, 1, 64], strides = [1, 1, 1]} : vector<8x1x64xi32> to vector<1x1x64xi32>
    %squeeze3A = vector.shape_cast %slice3A_324 : vector<1x1x64xi32> to vector<1x64xi32>
    %iota3A_325 = tpu.iota {dimensions = array<i32: 0>} : vector<72x64xi32>
    %sub3A_326 = vector.broadcast %and3A_323 : i32 to vector<1x64xi32>
    %sub3A_327 = arith.subi %squeeze3A, %sub3A_326 : vector<1x64xi32>
    %eq3A_328 = vector.broadcast %sub3A_327 : vector<1x64xi32> to vector<72x64xi32>
    %eq3A_329 = arith.cmpi eq, %iota3A_325, %eq3A_328 : vector<72x64xi32>
    %convert_element_type3A_330 = arith.extui %eq3A_329 : vector<72x64xi1> to vector<72x64xi32>
    %convert_element_type3A_331 = arith.sitofp %convert_element_type3A_330 : vector<72x64xi32> to vector<72x64xf32>
    %slice3A_332 = vector.extract_strided_slice %add3A_315 {offsets = [0, 0], sizes = [64, 64], strides = [1, 1]} : vector<512x64xf32> to vector<64x64xf32>
    %convert_element_type3A_333 = arith.truncf %convert_element_type3A_331 : vector<72x64xf32> to vector<72x64xbf16>
    %convert_element_type3A_334 = arith.truncf %slice3A_332 : vector<64x64xf32> to vector<64x64xbf16>
    %dot_general3A_335 = arith.constant dense<0.000000e+00> : vector<72x64xf32>
    %dot_general3A_336 = tpu.matmul %convert_element_type3A_333, %convert_element_type3A_334, %dot_general3A_335 {dimension_numbers = #tpu.dot_dimension_numbers<[1], [0], [0], [1], [0, 0, 1, 1], [], []>, transpose_lhs_hint = false} : vector<72x64xbf16>, vector<64x64xbf16>, vector<72x64xf32> -> vector<72x64xf32>
    %broadcast_in_dim3A_337 = arith.constant 0.000000e+00 : f32
    %broadcast_in_dim3A_338 = vector.broadcast %broadcast_in_dim3A_337 : f32 to vector<72x64xf32>
    %concatenate3A_339 = tpu.concatenate %dot_general3A_336, %broadcast_in_dim3A_338 in 1 : vector<72x64xf32>, vector<72x64xf32> -> vector<72x128xf32>
    %multiple_of3A = tpu.assume_multiple %and3A_323, 8 : i32
    %get3A_340 = arith.index_cast %multiple_of3A : i32 to index
    %get3A_341 = arith.constant 0 : index
    %get3A_342 = vector.load %arg18[%get3A_340, %get3A_341] : memref<8256x128xf32, #tpu.memory_space<vmem>>, vector<72x128xf32>
    %add3A_343 = arith.addf %get3A_342, %concatenate3A_339 : vector<72x128xf32>
    %swap3A_344 = arith.index_cast %multiple_of3A : i32 to index
    %swap3A_345 = arith.constant 0 : index
    %swap3A_346 = vector.load %arg18[%swap3A_344, %swap3A_345] : memref<8256x128xf32, #tpu.memory_space<vmem>>, vector<72x128xf32>
    tpu.vector_store %arg18[%swap3A_344, %swap3A_345], %add3A_343 {strides = array<i32>} : memref<8256x128xf32, #tpu.memory_space<vmem>>, vector<72x128xf32>,
    %mul3A_347 = arith.constant 8 : i32
    %mul3A_348 = arith.muli %arg0, %mul3A_347 : i32
    %add3A_349 = arith.constant 1 : i32
    %add3A_350 = arith.addi %mul3A_348, %add3A_349 : i32
    %get3A_351 = arith.index_cast %add3A_350 : i32 to index
    %get3A_352 = memref.load %arg1[%get3A_351] : memref<4096xi32, #tpu.memory_space<smem>>
    %and3A_353 = arith.constant -8 : i32
    %and3A_354 = arith.andi %get3A_352, %and3A_353 : i32
    %slice3A_355 = vector.extract_strided_slice %get3A_12 {offsets = [1, 0, 0], sizes = [1, 1, 64], strides = [1, 1, 1]} : vector<8x1x64xi32> to vector<1x1x64xi32>
    %squeeze3A_356 = vector.shape_cast %slice3A_355 : vector<1x1x64xi32> to vector<1x64xi32>
    %iota3A_357 = tpu.iota {dimensions = array<i32: 0>} : vector<72x64xi32>
    %sub3A_358 = vector.broadcast %and3A_354 : i32 to vector<1x64xi32>
    %sub3A_359 = arith.subi %squeeze3A_356, %sub3A_358 : vector<1x64xi32>
    %eq3A_360 = vector.broadcast %sub3A_359 : vector<1x64xi32> to vector<72x64xi32>
    %eq3A_361 = arith.cmpi eq, %iota3A_357, %eq3A_360 : vector<72x64xi32>
    %convert_element_type3A_362 = arith.extui %eq3A_361 : vector<72x64xi1> to vector<72x64xi32>
    %convert_element_type3A_363 = arith.sitofp %convert_element_type3A_362 : vector<72x64xi32> to vector<72x64xf32>
    %slice3A_364 = vector.extract_strided_slice %add3A_315 {offsets = [64, 0], sizes = [64, 64], strides = [1, 1]} : vector<512x64xf32> to vector<64x64xf32>
    %convert_element_type3A_365 = arith.truncf %convert_element_type3A_363 : vector<72x64xf32> to vector<72x64xbf16>
    %convert_element_type3A_366 = arith.truncf %slice3A_364 : vector<64x64xf32> to vector<64x64xbf16>
    %dot_general3A_367 = arith.constant dense<0.000000e+00> : vector<72x64xf32>
    %dot_general3A_368 = tpu.matmul %convert_element_type3A_365, %convert_element_type3A_366, %dot_general3A_367 {dimension_numbers = #tpu.dot_dimension_numbers<[1], [0], [0], [1], [0, 0, 1, 1], [], []>, transpose_lhs_hint = false} : vector<72x64xbf16>, vector<64x64xbf16>, vector<72x64xf32> -> vector<72x64xf32>
    %broadcast_in_dim3A_369 = arith.constant 0.000000e+00 : f32
    %broadcast_in_dim3A_370 = vector.broadcast %broadcast_in_dim3A_369 : f32 to vector<72x64xf32>
    %concatenate3A_371 = tpu.concatenate %dot_general3A_368, %broadcast_in_dim3A_370 in 1 : vector<72x64xf32>, vector<72x64xf32> -> vector<72x128xf32>
    %multiple_of3A_372 = tpu.assume_multiple %and3A_354, 8 : i32
    %get3A_373 = arith.index_cast %multiple_of3A_372 : i32 to index
    %get3A_374 = arith.constant 0 : index
    %get3A_375 = vector.load %arg18[%get3A_373, %get3A_374] : memref<8256x128xf32, #tpu.memory_space<vmem>>, vector<72x128xf32>
    %add3A_376 = arith.addf %get3A_375, %concatenate3A_371 : vector<72x128xf32>
    %swap3A_377 = arith.index_cast %multiple_of3A_372 : i32 to index
    %swap3A_378 = arith.constant 0 : index
    %swap3A_379 = vector.load %arg18[%swap3A_377, %swap3A_378] : memref<8256x128xf32, #tpu.memory_space<vmem>>, vector<72x128xf32>
    tpu.vector_store %arg18[%swap3A_377, %swap3A_378], %add3A_376 {strides = array<i32>} : memref<8256x128xf32, #tpu.memory_space<vmem>>, vector<72x128xf32>,
    %mul3A_380 = arith.constant 8 : i32
    %mul3A_381 = arith.muli %arg0, %mul3A_380 : i32
    %add3A_382 = arith.constant 2 : i32
    %add3A_383 = arith.addi %mul3A_381, %add3A_382 : i32
    %get3A_384 = arith.index_cast %add3A_383 : i32 to index
    %get3A_385 = memref.load %arg1[%get3A_384] : memref<4096xi32, #tpu.memory_space<smem>>
    %and3A_386 = arith.constant -8 : i32
    %and3A_387 = arith.andi %get3A_385, %and3A_386 : i32
    %slice3A_388 = vector.extract_strided_slice %get3A_12 {offsets = [2, 0, 0], sizes = [1, 1, 64], strides = [1, 1, 1]} : vector<8x1x64xi32> to vector<1x1x64xi32>
    %squeeze3A_389 = vector.shape_cast %slice3A_388 : vector<1x1x64xi32> to vector<1x64xi32>
    %iota3A_390 = tpu.iota {dimensions = array<i32: 0>} : vector<72x64xi32>
    %sub3A_391 = vector.broadcast %and3A_387 : i32 to vector<1x64xi32>
    %sub3A_392 = arith.subi %squeeze3A_389, %sub3A_391 : vector<1x64xi32>
    %eq3A_393 = vector.broadcast %sub3A_392 : vector<1x64xi32> to vector<72x64xi32>
    %eq3A_394 = arith.cmpi eq, %iota3A_390, %eq3A_393 : vector<72x64xi32>
    %convert_element_type3A_395 = arith.extui %eq3A_394 : vector<72x64xi1> to vector<72x64xi32>
    %convert_element_type3A_396 = arith.sitofp %convert_element_type3A_395 : vector<72x64xi32> to vector<72x64xf32>
    %slice3A_397 = vector.extract_strided_slice %add3A_315 {offsets = [128, 0], sizes = [64, 64], strides = [1, 1]} : vector<512x64xf32> to vector<64x64xf32>
    %convert_element_type3A_398 = arith.truncf %convert_element_type3A_396 : vector<72x64xf32> to vector<72x64xbf16>
    %convert_element_type3A_399 = arith.truncf %slice3A_397 : vector<64x64xf32> to vector<64x64xbf16>
    %dot_general3A_400 = arith.constant dense<0.000000e+00> : vector<72x64xf32>
    %dot_general3A_401 = tpu.matmul %convert_element_type3A_398, %convert_element_type3A_399, %dot_general3A_400 {dimension_numbers = #tpu.dot_dimension_numbers<[1], [0], [0], [1], [0, 0, 1, 1], [], []>, transpose_lhs_hint = false} : vector<72x64xbf16>, vector<64x64xbf16>, vector<72x64xf32> -> vector<72x64xf32>
    %broadcast_in_dim3A_402 = arith.constant 0.000000e+00 : f32
    %broadcast_in_dim3A_403 = vector.broadcast %broadcast_in_dim3A_402 : f32 to vector<72x64xf32>
    %concatenate3A_404 = tpu.concatenate %dot_general3A_401, %broadcast_in_dim3A_403 in 1 : vector<72x64xf32>, vector<72x64xf32> -> vector<72x128xf32>
    %multiple_of3A_405 = tpu.assume_multiple %and3A_387, 8 : i32
    %get3A_406 = arith.index_cast %multiple_of3A_405 : i32 to index
    %get3A_407 = arith.constant 0 : index
    %get3A_408 = vector.load %arg18[%get3A_406, %get3A_407] : memref<8256x128xf32, #tpu.memory_space<vmem>>, vector<72x128xf32>
    %add3A_409 = arith.addf %get3A_408, %concatenate3A_404 : vector<72x128xf32>
    %swap3A_410 = arith.index_cast %multiple_of3A_405 : i32 to index
    %swap3A_411 = arith.constant 0 : index
    %swap3A_412 = vector.load %arg18[%swap3A_410, %swap3A_411] : memref<8256x128xf32, #tpu.memory_space<vmem>>, vector<72x128xf32>
    tpu.vector_store %arg18[%swap3A_410, %swap3A_411], %add3A_409 {strides = array<i32>} : memref<8256x128xf32, #tpu.memory_space<vmem>>, vector<72x128xf32>,
    %mul3A_413 = arith.constant 8 : i32
    %mul3A_414 = arith.muli %arg0, %mul3A_413 : i32
    %add3A_415 = arith.constant 3 : i32
    %add3A_416 = arith.addi %mul3A_414, %add3A_415 : i32
    %get3A_417 = arith.index_cast %add3A_416 : i32 to index
    %get3A_418 = memref.load %arg1[%get3A_417] : memref<4096xi32, #tpu.memory_space<smem>>
    %and3A_419 = arith.constant -8 : i32
    %and3A_420 = arith.andi %get3A_418, %and3A_419 : i32
    %slice3A_421 = vector.extract_strided_slice %get3A_12 {offsets = [3, 0, 0], sizes = [1, 1, 64], strides = [1, 1, 1]} : vector<8x1x64xi32> to vector<1x1x64xi32>
    %squeeze3A_422 = vector.shape_cast %slice3A_421 : vector<1x1x64xi32> to vector<1x64xi32>
    %iota3A_423 = tpu.iota {dimensions = array<i32: 0>} : vector<72x64xi32>
    %sub3A_424 = vector.broadcast %and3A_420 : i32 to vector<1x64xi32>
    %sub3A_425 = arith.subi %squeeze3A_422, %sub3A_424 : vector<1x64xi32>
    %eq3A_426 = vector.broadcast %sub3A_425 : vector<1x64xi32> to vector<72x64xi32>
    %eq3A_427 = arith.cmpi eq, %iota3A_423, %eq3A_426 : vector<72x64xi32>
    %convert_element_type3A_428 = arith.extui %eq3A_427 : vector<72x64xi1> to vector<72x64xi32>
    %convert_element_type3A_429 = arith.sitofp %convert_element_type3A_428 : vector<72x64xi32> to vector<72x64xf32>
    %slice3A_430 = vector.extract_strided_slice %add3A_315 {offsets = [192, 0], sizes = [64, 64], strides = [1, 1]} : vector<512x64xf32> to vector<64x64xf32>
    %convert_element_type3A_431 = arith.truncf %convert_element_type3A_429 : vector<72x64xf32> to vector<72x64xbf16>
    %convert_element_type3A_432 = arith.truncf %slice3A_430 : vector<64x64xf32> to vector<64x64xbf16>
    %dot_general3A_433 = arith.constant dense<0.000000e+00> : vector<72x64xf32>
    %dot_general3A_434 = tpu.matmul %convert_element_type3A_431, %convert_element_type3A_432, %dot_general3A_433 {dimension_numbers = #tpu.dot_dimension_numbers<[1], [0], [0], [1], [0, 0, 1, 1], [], []>, transpose_lhs_hint = false} : vector<72x64xbf16>, vector<64x64xbf16>, vector<72x64xf32> -> vector<72x64xf32>
    %broadcast_in_dim3A_435 = arith.constant 0.000000e+00 : f32
    %broadcast_in_dim3A_436 = vector.broadcast %broadcast_in_dim3A_435 : f32 to vector<72x64xf32>
    %concatenate3A_437 = tpu.concatenate %dot_general3A_434, %broadcast_in_dim3A_436 in 1 : vector<72x64xf32>, vector<72x64xf32> -> vector<72x128xf32>
    %multiple_of3A_438 = tpu.assume_multiple %and3A_420, 8 : i32
    %get3A_439 = arith.index_cast %multiple_of3A_438 : i32 to index
    %get3A_440 = arith.constant 0 : index
    %get3A_441 = vector.load %arg18[%get3A_439, %get3A_440] : memref<8256x128xf32, #tpu.memory_space<vmem>>, vector<72x128xf32>
    %add3A_442 = arith.addf %get3A_441, %concatenate3A_437 : vector<72x128xf32>
    %swap3A_443 = arith.index_cast %multiple_of3A_438 : i32 to index
    %swap3A_444 = arith.constant 0 : index
    %swap3A_445 = vector.load %arg18[%swap3A_443, %swap3A_444] : memref<8256x128xf32, #tpu.memory_space<vmem>>, vector<72x128xf32>
    tpu.vector_store %arg18[%swap3A_443, %swap3A_444], %add3A_442 {strides = array<i32>} : memref<8256x128xf32, #tpu.memory_space<vmem>>, vector<72x128xf32>,
    %mul3A_446 = arith.constant 8 : i32
    %mul3A_447 = arith.muli %arg0, %mul3A_446 : i32
    %add3A_448 = arith.constant 4 : i32
    %add3A_449 = arith.addi %mul3A_447, %add3A_448 : i32
    %get3A_450 = arith.index_cast %add3A_449 : i32 to index
    %get3A_451 = memref.load %arg1[%get3A_450] : memref<4096xi32, #tpu.memory_space<smem>>
    %and3A_452 = arith.constant -8 : i32
    %and3A_453 = arith.andi %get3A_451, %and3A_452 : i32
    %slice3A_454 = vector.extract_strided_slice %get3A_12 {offsets = [4, 0, 0], sizes = [1, 1, 64], strides = [1, 1, 1]} : vector<8x1x64xi32> to vector<1x1x64xi32>
    %squeeze3A_455 = vector.shape_cast %slice3A_454 : vector<1x1x64xi32> to vector<1x64xi32>
    %iota3A_456 = tpu.iota {dimensions = array<i32: 0>} : vector<72x64xi32>
    %sub3A_457 = vector.broadcast %and3A_453 : i32 to vector<1x64xi32>
    %sub3A_458 = arith.subi %squeeze3A_455, %sub3A_457 : vector<1x64xi32>
    %eq3A_459 = vector.broadcast %sub3A_458 : vector<1x64xi32> to vector<72x64xi32>
    %eq3A_460 = arith.cmpi eq, %iota3A_456, %eq3A_459 : vector<72x64xi32>
    %convert_element_type3A_461 = arith.extui %eq3A_460 : vector<72x64xi1> to vector<72x64xi32>
    %convert_element_type3A_462 = arith.sitofp %convert_element_type3A_461 : vector<72x64xi32> to vector<72x64xf32>
    %slice3A_463 = vector.extract_strided_slice %add3A_315 {offsets = [256, 0], sizes = [64, 64], strides = [1, 1]} : vector<512x64xf32> to vector<64x64xf32>
    %convert_element_type3A_464 = arith.truncf %convert_element_type3A_462 : vector<72x64xf32> to vector<72x64xbf16>
    %convert_element_type3A_465 = arith.truncf %slice3A_463 : vector<64x64xf32> to vector<64x64xbf16>
    %dot_general3A_466 = arith.constant dense<0.000000e+00> : vector<72x64xf32>
    %dot_general3A_467 = tpu.matmul %convert_element_type3A_464, %convert_element_type3A_465, %dot_general3A_466 {dimension_numbers = #tpu.dot_dimension_numbers<[1], [0], [0], [1], [0, 0, 1, 1], [], []>, transpose_lhs_hint = false} : vector<72x64xbf16>, vector<64x64xbf16>, vector<72x64xf32> -> vector<72x64xf32>
    %broadcast_in_dim3A_468 = arith.constant 0.000000e+00 : f32
    %broadcast_in_dim3A_469 = vector.broadcast %broadcast_in_dim3A_468 : f32 to vector<72x64xf32>
    %concatenate3A_470 = tpu.concatenate %dot_general3A_467, %broadcast_in_dim3A_469 in 1 : vector<72x64xf32>, vector<72x64xf32> -> vector<72x128xf32>
    %multiple_of3A_471 = tpu.assume_multiple %and3A_453, 8 : i32
    %get3A_472 = arith.index_cast %multiple_of3A_471 : i32 to index
    %get3A_473 = arith.constant 0 : index
    %get3A_474 = vector.load %arg18[%get3A_472, %get3A_473] : memref<8256x128xf32, #tpu.memory_space<vmem>>, vector<72x128xf32>
    %add3A_475 = arith.addf %get3A_474, %concatenate3A_470 : vector<72x128xf32>
    %swap3A_476 = arith.index_cast %multiple_of3A_471 : i32 to index
    %swap3A_477 = arith.constant 0 : index
    %swap3A_478 = vector.load %arg18[%swap3A_476, %swap3A_477] : memref<8256x128xf32, #tpu.memory_space<vmem>>, vector<72x128xf32>
    tpu.vector_store %arg18[%swap3A_476, %swap3A_477], %add3A_475 {strides = array<i32>} : memref<8256x128xf32, #tpu.memory_space<vmem>>, vector<72x128xf32>,
    %mul3A_479 = arith.constant 8 : i32
    %mul3A_480 = arith.muli %arg0, %mul3A_479 : i32
    %add3A_481 = arith.constant 5 : i32
    %add3A_482 = arith.addi %mul3A_480, %add3A_481 : i32
    %get3A_483 = arith.index_cast %add3A_482 : i32 to index
    %get3A_484 = memref.load %arg1[%get3A_483] : memref<4096xi32, #tpu.memory_space<smem>>
    %and3A_485 = arith.constant -8 : i32
    %and3A_486 = arith.andi %get3A_484, %and3A_485 : i32
    %slice3A_487 = vector.extract_strided_slice %get3A_12 {offsets = [5, 0, 0], sizes = [1, 1, 64], strides = [1, 1, 1]} : vector<8x1x64xi32> to vector<1x1x64xi32>
    %squeeze3A_488 = vector.shape_cast %slice3A_487 : vector<1x1x64xi32> to vector<1x64xi32>
    %iota3A_489 = tpu.iota {dimensions = array<i32: 0>} : vector<72x64xi32>
    %sub3A_490 = vector.broadcast %and3A_486 : i32 to vector<1x64xi32>
    %sub3A_491 = arith.subi %squeeze3A_488, %sub3A_490 : vector<1x64xi32>
    %eq3A_492 = vector.broadcast %sub3A_491 : vector<1x64xi32> to vector<72x64xi32>
    %eq3A_493 = arith.cmpi eq, %iota3A_489, %eq3A_492 : vector<72x64xi32>
    %convert_element_type3A_494 = arith.extui %eq3A_493 : vector<72x64xi1> to vector<72x64xi32>
    %convert_element_type3A_495 = arith.sitofp %convert_element_type3A_494 : vector<72x64xi32> to vector<72x64xf32>
    %slice3A_496 = vector.extract_strided_slice %add3A_315 {offsets = [320, 0], sizes = [64, 64], strides = [1, 1]} : vector<512x64xf32> to vector<64x64xf32>
    %convert_element_type3A_497 = arith.truncf %convert_element_type3A_495 : vector<72x64xf32> to vector<72x64xbf16>
    %convert_element_type3A_498 = arith.truncf %slice3A_496 : vector<64x64xf32> to vector<64x64xbf16>
    %dot_general3A_499 = arith.constant dense<0.000000e+00> : vector<72x64xf32>
    %dot_general3A_500 = tpu.matmul %convert_element_type3A_497, %convert_element_type3A_498, %dot_general3A_499 {dimension_numbers = #tpu.dot_dimension_numbers<[1], [0], [0], [1], [0, 0, 1, 1], [], []>, transpose_lhs_hint = false} : vector<72x64xbf16>, vector<64x64xbf16>, vector<72x64xf32> -> vector<72x64xf32>
    %broadcast_in_dim3A_501 = arith.constant 0.000000e+00 : f32
    %broadcast_in_dim3A_502 = vector.broadcast %broadcast_in_dim3A_501 : f32 to vector<72x64xf32>
    %concatenate3A_503 = tpu.concatenate %dot_general3A_500, %broadcast_in_dim3A_502 in 1 : vector<72x64xf32>, vector<72x64xf32> -> vector<72x128xf32>
    %multiple_of3A_504 = tpu.assume_multiple %and3A_486, 8 : i32
    %get3A_505 = arith.index_cast %multiple_of3A_504 : i32 to index
    %get3A_506 = arith.constant 0 : index
    %get3A_507 = vector.load %arg18[%get3A_505, %get3A_506] : memref<8256x128xf32, #tpu.memory_space<vmem>>, vector<72x128xf32>
    %add3A_508 = arith.addf %get3A_507, %concatenate3A_503 : vector<72x128xf32>
    %swap3A_509 = arith.index_cast %multiple_of3A_504 : i32 to index
    %swap3A_510 = arith.constant 0 : index
    %swap3A_511 = vector.load %arg18[%swap3A_509, %swap3A_510] : memref<8256x128xf32, #tpu.memory_space<vmem>>, vector<72x128xf32>
    tpu.vector_store %arg18[%swap3A_509, %swap3A_510], %add3A_508 {strides = array<i32>} : memref<8256x128xf32, #tpu.memory_space<vmem>>, vector<72x128xf32>,
    %mul3A_512 = arith.constant 8 : i32
    %mul3A_513 = arith.muli %arg0, %mul3A_512 : i32
    %add3A_514 = arith.constant 6 : i32
    %add3A_515 = arith.addi %mul3A_513, %add3A_514 : i32
    %get3A_516 = arith.index_cast %add3A_515 : i32 to index
    %get3A_517 = memref.load %arg1[%get3A_516] : memref<4096xi32, #tpu.memory_space<smem>>
    %and3A_518 = arith.constant -8 : i32
    %and3A_519 = arith.andi %get3A_517, %and3A_518 : i32
    %slice3A_520 = vector.extract_strided_slice %get3A_12 {offsets = [6, 0, 0], sizes = [1, 1, 64], strides = [1, 1, 1]} : vector<8x1x64xi32> to vector<1x1x64xi32>
    %squeeze3A_521 = vector.shape_cast %slice3A_520 : vector<1x1x64xi32> to vector<1x64xi32>
    %iota3A_522 = tpu.iota {dimensions = array<i32: 0>} : vector<72x64xi32>
    %sub3A_523 = vector.broadcast %and3A_519 : i32 to vector<1x64xi32>
    %sub3A_524 = arith.subi %squeeze3A_521, %sub3A_523 : vector<1x64xi32>
    %eq3A_525 = vector.broadcast %sub3A_524 : vector<1x64xi32> to vector<72x64xi32>
    %eq3A_526 = arith.cmpi eq, %iota3A_522, %eq3A_525 : vector<72x64xi32>
    %convert_element_type3A_527 = arith.extui %eq3A_526 : vector<72x64xi1> to vector<72x64xi32>
    %convert_element_type3A_528 = arith.sitofp %convert_element_type3A_527 : vector<72x64xi32> to vector<72x64xf32>
    %slice3A_529 = vector.extract_strided_slice %add3A_315 {offsets = [384, 0], sizes = [64, 64], strides = [1, 1]} : vector<512x64xf32> to vector<64x64xf32>
    %convert_element_type3A_530 = arith.truncf %convert_element_type3A_528 : vector<72x64xf32> to vector<72x64xbf16>
    %convert_element_type3A_531 = arith.truncf %slice3A_529 : vector<64x64xf32> to vector<64x64xbf16>
    %dot_general3A_532 = arith.constant dense<0.000000e+00> : vector<72x64xf32>
    %dot_general3A_533 = tpu.matmul %convert_element_type3A_530, %convert_element_type3A_531, %dot_general3A_532 {dimension_numbers = #tpu.dot_dimension_numbers<[1], [0], [0], [1], [0, 0, 1, 1], [], []>, transpose_lhs_hint = false} : vector<72x64xbf16>, vector<64x64xbf16>, vector<72x64xf32> -> vector<72x64xf32>
    %broadcast_in_dim3A_534 = arith.constant 0.000000e+00 : f32
    %broadcast_in_dim3A_535 = vector.broadcast %broadcast_in_dim3A_534 : f32 to vector<72x64xf32>
    %concatenate3A_536 = tpu.concatenate %dot_general3A_533, %broadcast_in_dim3A_535 in 1 : vector<72x64xf32>, vector<72x64xf32> -> vector<72x128xf32>
    %multiple_of3A_537 = tpu.assume_multiple %and3A_519, 8 : i32
    %get3A_538 = arith.index_cast %multiple_of3A_537 : i32 to index
    %get3A_539 = arith.constant 0 : index
    %get3A_540 = vector.load %arg18[%get3A_538, %get3A_539] : memref<8256x128xf32, #tpu.memory_space<vmem>>, vector<72x128xf32>
    %add3A_541 = arith.addf %get3A_540, %concatenate3A_536 : vector<72x128xf32>
    %swap3A_542 = arith.index_cast %multiple_of3A_537 : i32 to index
    %swap3A_543 = arith.constant 0 : index
    %swap3A_544 = vector.load %arg18[%swap3A_542, %swap3A_543] : memref<8256x128xf32, #tpu.memory_space<vmem>>, vector<72x128xf32>
    tpu.vector_store %arg18[%swap3A_542, %swap3A_543], %add3A_541 {strides = array<i32>} : memref<8256x128xf32, #tpu.memory_space<vmem>>, vector<72x128xf32>,
    %mul3A_545 = arith.constant 8 : i32
    %mul3A_546 = arith.muli %arg0, %mul3A_545 : i32
    %add3A_547 = arith.constant 7 : i32
    %add3A_548 = arith.addi %mul3A_546, %add3A_547 : i32
    %get3A_549 = arith.index_cast %add3A_548 : i32 to index
    %get3A_550 = memref.load %arg1[%get3A_549] : memref<4096xi32, #tpu.memory_space<smem>>
    %and3A_551 = arith.constant -8 : i32
    %and3A_552 = arith.andi %get3A_550, %and3A_551 : i32
    %slice3A_553 = vector.extract_strided_slice %get3A_12 {offsets = [7, 0, 0], sizes = [1, 1, 64], strides = [1, 1, 1]} : vector<8x1x64xi32> to vector<1x1x64xi32>
    %squeeze3A_554 = vector.shape_cast %slice3A_553 : vector<1x1x64xi32> to vector<1x64xi32>
    %iota3A_555 = tpu.iota {dimensions = array<i32: 0>} : vector<72x64xi32>
    %sub3A_556 = vector.broadcast %and3A_552 : i32 to vector<1x64xi32>
    %sub3A_557 = arith.subi %squeeze3A_554, %sub3A_556 : vector<1x64xi32>
    %eq3A_558 = vector.broadcast %sub3A_557 : vector<1x64xi32> to vector<72x64xi32>
    %eq3A_559 = arith.cmpi eq, %iota3A_555, %eq3A_558 : vector<72x64xi32>
    %convert_element_type3A_560 = arith.extui %eq3A_559 : vector<72x64xi1> to vector<72x64xi32>
    %convert_element_type3A_561 = arith.sitofp %convert_element_type3A_560 : vector<72x64xi32> to vector<72x64xf32>
    %slice3A_562 = vector.extract_strided_slice %add3A_315 {offsets = [448, 0], sizes = [64, 64], strides = [1, 1]} : vector<512x64xf32> to vector<64x64xf32>
    %convert_element_type3A_563 = arith.truncf %convert_element_type3A_561 : vector<72x64xf32> to vector<72x64xbf16>
    %convert_element_type3A_564 = arith.truncf %slice3A_562 : vector<64x64xf32> to vector<64x64xbf16>
    %dot_general3A_565 = arith.constant dense<0.000000e+00> : vector<72x64xf32>
    %dot_general3A_566 = tpu.matmul %convert_element_type3A_563, %convert_element_type3A_564, %dot_general3A_565 {dimension_numbers = #tpu.dot_dimension_numbers<[1], [0], [0], [1], [0, 0, 1, 1], [], []>, transpose_lhs_hint = false} : vector<72x64xbf16>, vector<64x64xbf16>, vector<72x64xf32> -> vector<72x64xf32>
    %broadcast_in_dim3A_567 = arith.constant 0.000000e+00 : f32
    %broadcast_in_dim3A_568 = vector.broadcast %broadcast_in_dim3A_567 : f32 to vector<72x64xf32>
    %concatenate3A_569 = tpu.concatenate %dot_general3A_566, %broadcast_in_dim3A_568 in 1 : vector<72x64xf32>, vector<72x64xf32> -> vector<72x128xf32>
    %multiple_of3A_570 = tpu.assume_multiple %and3A_552, 8 : i32
    %get3A_571 = arith.index_cast %multiple_of3A_570 : i32 to index
    %get3A_572 = arith.constant 0 : index
    %get3A_573 = vector.load %arg18[%get3A_571, %get3A_572] : memref<8256x128xf32, #tpu.memory_space<vmem>>, vector<72x128xf32>
    %add3A_574 = arith.addf %get3A_573, %concatenate3A_569 : vector<72x128xf32>
    %swap3A_575 = arith.index_cast %multiple_of3A_570 : i32 to index
    %swap3A_576 = arith.constant 0 : index
    %swap3A_577 = vector.load %arg18[%swap3A_575, %swap3A_576] : memref<8256x128xf32, #tpu.memory_space<vmem>>, vector<72x128xf32>
    tpu.vector_store %arg18[%swap3A_575, %swap3A_576], %add3A_574 {strides = array<i32>} : memref<8256x128xf32, #tpu.memory_space<vmem>>, vector<72x128xf32>,
    return
  }
  func.func @transform_0(%arg0: i32, %arg1: memref<4096xi32, #tpu.memory_space<smem>>) -> (i32, i32) {
    %c0_i32 = arith.constant 0 : i32
    %c0_i32_0 = arith.constant 0 : i32
    return %arg0, %c0_i32 : i32, i32
  }
  func.func @transform_1(%arg0: i32, %arg1: memref<4096xi32, #tpu.memory_space<smem>>) -> (i32, i32, i32, i32) {
    %c0_i32 = arith.constant 0 : i32
    %c0_i32_0 = arith.constant 0 : i32
    %c0_i32_1 = arith.constant 0 : i32
    %c0_i32_2 = arith.constant 0 : i32
    return %arg0, %c0_i32, %c0_i32_0, %c0_i32_1 : i32, i32, i32, i32
  }
  func.func @transform_2(%arg0: i32, %arg1: memref<4096xi32, #tpu.memory_space<smem>>) -> (i32, i32, i32, i32) {
    %c0_i32 = arith.constant 0 : i32
    %c0_i32_0 = arith.constant 0 : i32
    %c0_i32_1 = arith.constant 0 : i32
    %c0_i32_2 = arith.constant 0 : i32
    return %arg0, %c0_i32, %c0_i32_0, %c0_i32_1 : i32, i32, i32, i32
  }
  func.func @transform_3(%arg0: i32, %arg1: memref<4096xi32, #tpu.memory_space<smem>>) -> (i32, i32) {
    %c0_i32 = arith.constant 0 : i32
    %c0_i32_0 = arith.constant 0 : i32
    %c0_i32_1 = arith.constant 0 : i32
    return %c0_i32, %c0_i32_0 : i32, i32
  }
  func.func @transform_4(%arg0: i32, %arg1: memref<4096xi32, #tpu.memory_space<smem>>) -> (i32, i32) {
    %c0_i32 = arith.constant 0 : i32
    %c0_i32_0 = arith.constant 0 : i32
    %c0_i32_1 = arith.constant 0 : i32
    return %c0_i32, %c0_i32_0 : i32, i32
  }
  func.func @transform_5(%arg0: i32, %arg1: memref<4096xi32, #tpu.memory_space<smem>>) -> (i32, i32) {
    %c0_i32 = arith.constant 0 : i32
    %c0_i32_0 = arith.constant 0 : i32
    %c0_i32_1 = arith.constant 0 : i32
    return %c0_i32, %c0_i32_0 : i32, i32
  }
  func.func @transform_6(%arg0: i32, %arg1: memref<4096xi32, #tpu.memory_space<smem>>) -> (i32, i32) {
    %c0_i32 = arith.constant 0 : i32
    %c0_i32_0 = arith.constant 0 : i32
    %c0_i32_1 = arith.constant 0 : i32
    return %c0_i32, %c0_i32_0 : i32, i32
  }
  func.func @transform_7(%arg0: i32, %arg1: memref<4096xi32, #tpu.memory_space<smem>>) -> (i32, i32) {
    %c0_i32 = arith.constant 0 : i32
    %c0_i32_0 = arith.constant 0 : i32
    %c0_i32_1 = arith.constant 0 : i32
    return %c0_i32, %c0_i32_0 : i32, i32
  }
  func.func @transform_8(%arg0: i32, %arg1: memref<4096xi32, #tpu.memory_space<smem>>) -> (i32, i32) {
    %c0_i32 = arith.constant 0 : i32
    %c0_i32_0 = arith.constant 0 : i32
    %c0_i32_1 = arith.constant 0 : i32
    return %c0_i32, %c0_i32_0 : i32, i32
  }
  func.func @transform_9(%arg0: i32, %arg1: memref<4096xi32, #tpu.memory_space<smem>>) -> (i32, i32) {
    %c0_i32 = arith.constant 0 : i32
    %c0_i32_0 = arith.constant 0 : i32
    %c0_i32_1 = arith.constant 0 : i32
    return %c0_i32, %c0_i32_0 : i32, i32
  }
  func.func @transform_10(%arg0: i32, %arg1: memref<4096xi32, #tpu.memory_space<smem>>) -> (i32, i32) {
    %c0_i32 = arith.constant 0 : i32
    %c0_i32_0 = arith.constant 0 : i32
    %c0_i32_1 = arith.constant 0 : i32
    return %c0_i32, %c0_i32_0 : i32, i32
  }
  func.func @transform_11(%arg0: i32, %arg1: memref<4096xi32, #tpu.memory_space<smem>>) -> (i32, i32) {
    %c0_i32 = arith.constant 0 : i32
    %c0_i32_0 = arith.constant 0 : i32
    %c0_i32_1 = arith.constant 0 : i32
    return %c0_i32, %c0_i32_0 : i32, i32
  }
  func.func @transform_12(%arg0: i32, %arg1: memref<4096xi32, #tpu.memory_space<smem>>) -> (i32, i32) {
    %c0_i32 = arith.constant 0 : i32
    %c0_i32_0 = arith.constant 0 : i32
    %c0_i32_1 = arith.constant 0 : i32
    return %c0_i32, %c0_i32_0 : i32, i32
  }
  func.func @transform_13(%arg0: i32, %arg1: memref<4096xi32, #tpu.memory_space<smem>>) -> (i32, i32) {
    %c0_i32 = arith.constant 0 : i32
    %c0_i32_0 = arith.constant 0 : i32
    %c0_i32_1 = arith.constant 0 : i32
    return %c0_i32, %c0_i32_0 : i32, i32
  }
  func.func @transform_14(%arg0: i32, %arg1: memref<4096xi32, #tpu.memory_space<smem>>) -> (i32, i32) {
    %c0_i32 = arith.constant 0 : i32
    %c0_i32_0 = arith.constant 0 : i32
    %c0_i32_1 = arith.constant 0 : i32
    return %c0_i32, %c0_i32_0 : i32, i32
  }
  func.func @transform_15(%arg0: i32, %arg1: memref<4096xi32, #tpu.memory_space<smem>>) -> (i32, i32) {
    %c0_i32 = arith.constant 0 : i32
    %c0_i32_0 = arith.constant 0 : i32
    %c0_i32_1 = arith.constant 0 : i32
    return %c0_i32, %c0_i32_0 : i32, i32
  }
  func.func @transform_16(%arg0: i32, %arg1: memref<4096xi32, #tpu.memory_space<smem>>) -> (i32, i32) {
    %c0_i32 = arith.constant 0 : i32
    %c0_i32_0 = arith.constant 0 : i32
    %c0_i32_1 = arith.constant 0 : i32
    return %c0_i32, %c0_i32_0 : i32, i32
  }
}

module attributes {stable_mosaic.version = 14 : i64} {
  func.func @_dec_body(%arg0: i32, %arg1: memref<512x128xf32, #tpu.memory_space<vmem>>, %arg2: memref<1x8x64x1xi32, #tpu.memory_space<vmem>>, %arg3: memref<1x8x1x64xi32, #tpu.memory_space<vmem>>, %arg4: memref<64x64xf32, #tpu.memory_space<vmem>>, %arg5: memref<1x64xf32, #tpu.memory_space<vmem>>, %arg6: memref<1x64xf32, #tpu.memory_space<vmem>>, %arg7: memref<1x64xf32, #tpu.memory_space<vmem>>, %arg8: memref<64x64xf32, #tpu.memory_space<vmem>>, %arg9: memref<1x64xf32, #tpu.memory_space<vmem>>, %arg10: memref<1x64xf32, #tpu.memory_space<vmem>>, %arg11: memref<64x64xf32, #tpu.memory_space<vmem>>, %arg12: memref<1x64xf32, #tpu.memory_space<vmem>>, %arg13: memref<64x64xf32, #tpu.memory_space<vmem>>, %arg14: memref<1x64xf32, #tpu.memory_space<vmem>>, %arg15: memref<512x64xf32, #tpu.memory_space<vmem>>, %arg16: memref<72x64xf32, #tpu.memory_space<vmem>>, %arg17: memref<1x2xi32, #tpu.memory_space<vmem>>) attributes {dimension_semantics = [#tpu.dimension_semantics<arbitrary>], iteration_bounds = array<i64: 512>, scalar_prefetch = 0 : i64, scratch_operands = 2 : i64, tpu.core_type = #tpu.core_type<tc>, window_params = [{transform_indices = @transform_0, window_bounds = array<i64: 512, 128>}, {transform_indices = @transform_1, window_bounds = array<i64: 1, 8, 64, 1>}, {transform_indices = @transform_2, window_bounds = array<i64: 1, 8, 1, 64>}, {pipeline_mode = #tpu.pipeline_mode<synchronous>, transform_indices = @transform_3, window_bounds = array<i64: 64, 64>}, {pipeline_mode = #tpu.pipeline_mode<synchronous>, transform_indices = @transform_4, window_bounds = array<i64: 1, 64>}, {pipeline_mode = #tpu.pipeline_mode<synchronous>, transform_indices = @transform_5, window_bounds = array<i64: 1, 64>}, {pipeline_mode = #tpu.pipeline_mode<synchronous>, transform_indices = @transform_6, window_bounds = array<i64: 1, 64>}, {pipeline_mode = #tpu.pipeline_mode<synchronous>, transform_indices = @transform_7, window_bounds = array<i64: 64, 64>}, {pipeline_mode = #tpu.pipeline_mode<synchronous>, transform_indices = @transform_8, window_bounds = array<i64: 1, 64>}, {pipeline_mode = #tpu.pipeline_mode<synchronous>, transform_indices = @transform_9, window_bounds = array<i64: 1, 64>}, {pipeline_mode = #tpu.pipeline_mode<synchronous>, transform_indices = @transform_10, window_bounds = array<i64: 64, 64>}, {pipeline_mode = #tpu.pipeline_mode<synchronous>, transform_indices = @transform_11, window_bounds = array<i64: 1, 64>}, {pipeline_mode = #tpu.pipeline_mode<synchronous>, transform_indices = @transform_12, window_bounds = array<i64: 64, 64>}, {pipeline_mode = #tpu.pipeline_mode<synchronous>, transform_indices = @transform_13, window_bounds = array<i64: 1, 64>}, {transform_indices = @transform_14, window_bounds = array<i64: 512, 64>}]} {
    %eq3A = arith.constant 0 : i32
    %eq3A_0 = arith.cmpi eq, %arg0, %eq3A : i32
    %convert_element_type3A = arith.extui %eq3A_0 : i1 to i32
    %cond3A = arith.constant 0 : i32
    %cond3A_1 = arith.cmpi ne, %convert_element_type3A, %cond3A : i32
    scf.if %cond3A_1 {
      %get3A_285 = arith.constant 0 : index
      %get3A_286 = arith.constant 0 : index
      %get3A_287 = vector.load %arg4[%get3A_285, %get3A_286] : memref<64x64xf32, #tpu.memory_space<vmem>>, vector<64x64xf32>
      %get3A_288 = arith.constant 0 : index
      %get3A_289 = arith.constant 0 : index
      %get3A_290 = vector.load %arg5[%get3A_288, %get3A_289] : memref<1x64xf32, #tpu.memory_space<vmem>>, vector<1x64xf32>
      %get3A_291 = arith.constant 0 : index
      %get3A_292 = arith.constant 0 : index
      %get3A_293 = vector.load %arg6[%get3A_291, %get3A_292] : memref<1x64xf32, #tpu.memory_space<vmem>>, vector<1x64xf32>
      %get3A_294 = arith.constant 0 : index
      %get3A_295 = arith.constant 0 : index
      %get3A_296 = vector.load %arg7[%get3A_294, %get3A_295] : memref<1x64xf32, #tpu.memory_space<vmem>>, vector<1x64xf32>
      %get3A_297 = arith.constant 0 : index
      %get3A_298 = arith.constant 0 : index
      %get3A_299 = vector.load %arg8[%get3A_297, %get3A_298] : memref<64x64xf32, #tpu.memory_space<vmem>>, vector<64x64xf32>
      %get3A_300 = arith.constant 0 : index
      %get3A_301 = arith.constant 0 : index
      %get3A_302 = vector.load %arg9[%get3A_300, %get3A_301] : memref<1x64xf32, #tpu.memory_space<vmem>>, vector<1x64xf32>
      %iota3A_303 = tpu.iota {dimensions = array<i32: 0>} : vector<64x64xi32>
      %iota3A_304 = tpu.iota {dimensions = array<i32: 1>} : vector<64x64xi32>
      %eq3A_305 = arith.cmpi eq, %iota3A_303, %iota3A_304 : vector<64x64xi32>
      %convert_element_type3A_306 = arith.extui %eq3A_305 : vector<64x64xi1> to vector<64x64xi32>
      %convert_element_type3A_307 = arith.sitofp %convert_element_type3A_306 : vector<64x64xi32> to vector<64x64xf32>
      %broadcast_in_dim3A_308 = arith.constant 0.000000e+00 : f32
      %broadcast_in_dim3A_309 = vector.broadcast %broadcast_in_dim3A_308 : f32 to vector<8x64xf32>
      %concatenate3A_310 = tpu.concatenate %convert_element_type3A_307, %broadcast_in_dim3A_309 in 0 : vector<64x64xf32>, vector<8x64xf32> -> vector<72x64xf32>
      %convert_element_type3A_311 = arith.truncf %concatenate3A_310 : vector<72x64xf32> to vector<72x64xbf16>
      %convert_element_type3A_312 = arith.truncf %get3A_287 : vector<64x64xf32> to vector<64x64xbf16>
      %dot_general3A_313 = arith.constant dense<0.000000e+00> : vector<72x64xf32>
      %dot_general3A_314 = tpu.matmul %convert_element_type3A_311, %convert_element_type3A_312, %dot_general3A_313 {dimension_numbers = #tpu.dot_dimension_numbers<[1], [0], [0], [1], [0, 0, 1, 1], [], []>, transpose_lhs_hint = false} : vector<72x64xbf16>, vector<64x64xbf16>, vector<72x64xf32> -> vector<72x64xf32>
      %add3A_315 = vector.broadcast %get3A_290 : vector<1x64xf32> to vector<72x64xf32>
      %add3A_316 = arith.addf %dot_general3A_314, %add3A_315 : vector<72x64xf32>
      %reduce_sum3A = arith.constant dense<0.000000e+00> : vector<72xf32>
      %reduce_sum3A_317 = vector.multi_reduction <add>, %add3A_316, %reduce_sum3A [1] : vector<72x64xf32> to vector<72xf32>
      %broadcast_in_dim3A_318 = vector.shape_cast %reduce_sum3A_317 : vector<72xf32> to vector<72x1xf32>
      %div3A = arith.constant 6.400000e+01 : f32
      %div3A_319 = vector.broadcast %div3A : f32 to vector<72x1xf32>
      %div3A_320 = arith.divf %broadcast_in_dim3A_318, %div3A_319 : vector<72x1xf32>
      %jit3A_321 = arith.constant 0 : i32
      %reduce_sum3A_322 = arith.constant dense<0.000000e+00> : vector<72xf32>
      %reduce_sum3A_323 = vector.multi_reduction <add>, %add3A_316, %reduce_sum3A_322 [1] : vector<72x64xf32> to vector<72xf32>
      %broadcast_in_dim3A_324 = vector.shape_cast %reduce_sum3A_323 : vector<72xf32> to vector<72x1xf32>
      %div3A_325 = arith.constant 6.400000e+01 : f32
      %div3A_326 = vector.broadcast %div3A_325 : f32 to vector<72x1xf32>
      %div3A_327 = arith.divf %broadcast_in_dim3A_324, %div3A_326 : vector<72x1xf32>
      %sub3A_328 = vector.broadcast %div3A_327 : vector<72x1xf32> to vector<72x64xf32>
      %sub3A_329 = arith.subf %add3A_316, %sub3A_328 : vector<72x64xf32>
      %square3A = arith.mulf %sub3A_329, %sub3A_329 : vector<72x64xf32>
      %convert_element_type3A_330 = arith.sitofp %jit3A_321 : i32 to f32
      %sub3A_331 = arith.constant 6.400000e+01 : f32
      %sub3A_332 = arith.subf %sub3A_331, %convert_element_type3A_330 : f32
      %reduce_sum3A_333 = arith.constant dense<0.000000e+00> : vector<72xf32>
      %reduce_sum3A_334 = vector.multi_reduction <add>, %square3A, %reduce_sum3A_333 [1] : vector<72x64xf32> to vector<72xf32>
      %broadcast_in_dim3A_335 = vector.shape_cast %reduce_sum3A_334 : vector<72xf32> to vector<72x1xf32>
      %div3A_336 = vector.broadcast %sub3A_332 : f32 to vector<72x1xf32>
      %div3A_337 = arith.divf %broadcast_in_dim3A_335, %div3A_336 : vector<72x1xf32>
      %gt3A_338 = arith.constant 0.000000e+00 : f32
      %gt3A_339 = arith.cmpf ogt, %sub3A_332, %gt3A_338 : f32
      %jit3A_340 = arith.constant 0x7FC00000 : f32
      %broadcast_in_dim3A_341 = vector.broadcast %jit3A_340 : f32 to vector<72x1xf32>
      %select_n3A_342 = arith.select %gt3A_339, %div3A_337, %broadcast_in_dim3A_341 : vector<72x1xf32>
      %sub3A_343 = vector.broadcast %div3A_320 : vector<72x1xf32> to vector<72x64xf32>
      %sub3A_344 = arith.subf %add3A_316, %sub3A_343 : vector<72x64xf32>
      %add3A_345 = arith.constant 9.99999974E-6 : f32
      %add3A_346 = vector.broadcast %add3A_345 : f32 to vector<72x1xf32>
      %add3A_347 = arith.addf %select_n3A_342, %add3A_346 : vector<72x1xf32>
      %sqrt3A = math.sqrt %add3A_347 : vector<72x1xf32>
      %div3A_348 = vector.broadcast %sqrt3A : vector<72x1xf32> to vector<72x64xf32>
      %div3A_349 = arith.divf %sub3A_344, %div3A_348 : vector<72x64xf32>
      %mul3A_350 = vector.broadcast %get3A_293 : vector<1x64xf32> to vector<72x64xf32>
      %mul3A_351 = arith.mulf %div3A_349, %mul3A_350 : vector<72x64xf32>
      %add3A_352 = vector.broadcast %get3A_296 : vector<1x64xf32> to vector<72x64xf32>
      %add3A_353 = arith.addf %mul3A_351, %add3A_352 : vector<72x64xf32>
      %custom_jvp_call3A_354 = arith.constant 0.000000e+00 : f32
      %max3A_355 = vector.broadcast %custom_jvp_call3A_354 : f32 to vector<72x64xf32>
      %max3A_356 = arith.maximumf %add3A_353, %max3A_355 : vector<72x64xf32>
      %sub3A_357 = vector.broadcast %custom_jvp_call3A_354 : f32 to vector<72x64xf32>
      %sub3A_358 = arith.subf %add3A_353, %sub3A_357 : vector<72x64xf32>
      %ne3A_359 = arith.cmpf one, %sub3A_358, %sub3A_358 : vector<72x64xf32>
      %add3A_360 = vector.broadcast %custom_jvp_call3A_354 : f32 to vector<72x64xf32>
      %add3A_361 = arith.addf %add3A_353, %add3A_360 : vector<72x64xf32>
      %abs3A_362 = math.absf %sub3A_358 : vector<72x64xf32>
      %neg3A_363 = arith.constant 0.000000e+00 : f32
      %neg3A_364 = vector.broadcast %neg3A_363 : f32 to vector<72x64xf32>
      %neg3A_365 = arith.subf %neg3A_364, %abs3A_362 : vector<72x64xf32>
      %exp3A_366 = math.exp %neg3A_365 : vector<72x64xf32>
      %log1p3A_367 = math.log1p %exp3A_366 : vector<72x64xf32>
      %add3A_368 = arith.addf %max3A_356, %log1p3A_367 : vector<72x64xf32>
      %select_n3A_369 = arith.select %ne3A_359, %add3A_361, %add3A_368 : vector<72x64xi1>, vector<72x64xf32>
      %tanh3A_370 = math.tanh %select_n3A_369 : vector<72x64xf32>
      %mul3A_371 = arith.mulf %add3A_353, %tanh3A_370 : vector<72x64xf32>
      %convert_element_type3A_372 = arith.truncf %mul3A_371 : vector<72x64xf32> to vector<72x64xbf16>
      %convert_element_type3A_373 = arith.truncf %get3A_299 : vector<64x64xf32> to vector<64x64xbf16>
      %dot_general3A_374 = arith.constant dense<0.000000e+00> : vector<72x64xf32>
      %dot_general3A_375 = tpu.matmul %convert_element_type3A_372, %convert_element_type3A_373, %dot_general3A_374 {dimension_numbers = #tpu.dot_dimension_numbers<[1], [0], [0], [1], [0, 0, 1, 1], [], []>, transpose_lhs_hint = false} : vector<72x64xbf16>, vector<64x64xbf16>, vector<72x64xf32> -> vector<72x64xf32>
      %add3A_376 = vector.broadcast %get3A_302 : vector<1x64xf32> to vector<72x64xf32>
      %add3A_377 = arith.addf %dot_general3A_375, %add3A_376 : vector<72x64xf32>
      %swap3A_378 = arith.constant 0 : index
      %swap3A_379 = arith.constant 0 : index
      %swap3A_380 = vector.load %arg16[%swap3A_378, %swap3A_379] : memref<72x64xf32, #tpu.memory_space<vmem>>, vector<72x64xf32>
      tpu.vector_store %arg16[%swap3A_378, %swap3A_379], %add3A_377 {strides = array<i32>} : memref<72x64xf32, #tpu.memory_space<vmem>>, vector<72x64xf32>,
    } else {
    }
    %get3A = arith.constant 0 : index
    %get3A_2 = arith.constant 0 : index
    %get3A_3 = arith.constant 0 : index
    %get3A_4 = arith.constant 0 : index
    %get3A_5 = vector.load %arg2[%get3A, %get3A_2, %get3A_3, %get3A_4] : memref<1x8x64x1xi32, #tpu.memory_space<vmem>>, vector<1x8x64x1xi32>
    %get3A_6 = vector.shape_cast %get3A_5 : vector<1x8x64x1xi32> to vector<8x64x1xi32>
    %get3A_7 = arith.constant 0 : index
    %get3A_8 = arith.constant 0 : index
    %get3A_9 = arith.constant 0 : index
    %get3A_10 = arith.constant 0 : index
    %get3A_11 = vector.load %arg3[%get3A_7, %get3A_8, %get3A_9, %get3A_10] : memref<1x8x1x64xi32, #tpu.memory_space<vmem>>, vector<1x8x1x64xi32>
    %get3A_12 = vector.shape_cast %get3A_11 : vector<1x8x1x64xi32> to vector<8x1x64xi32>
    %eq3A_13 = arith.constant 0 : i32
    %eq3A_14 = arith.cmpi eq, %arg0, %eq3A_13 : i32
    %convert_element_type3A_15 = arith.extui %eq3A_14 : i1 to i32
    %cond3A_16 = arith.constant 0 : i32
    %cond3A_17 = arith.cmpi ne, %convert_element_type3A_15, %cond3A_16 : i32
    scf.if %cond3A_17 {
      %broadcast_in_dim3A_285 = arith.constant -1 : i32
      %broadcast_in_dim3A_286 = vector.broadcast %broadcast_in_dim3A_285 : i32 to vector<1x2xi32>
      %swap3A_287 = arith.constant 0 : index
      %swap3A_288 = arith.constant 0 : index
      %swap3A_289 = vector.load %arg17[%swap3A_287, %swap3A_288] : memref<1x2xi32, #tpu.memory_space<vmem>>, vector<1x2xi32>
      tpu.vector_store %arg17[%swap3A_287, %swap3A_288], %broadcast_in_dim3A_286 {strides = array<i32>} : memref<1x2xi32, #tpu.memory_space<vmem>>, vector<1x2xi32>,
    } else {
    }
    %eq3A_18 = vector.broadcast %get3A_6 : vector<8x64x1xi32> to vector<8x64x64xi32>
    %eq3A_19 = vector.broadcast %get3A_12 : vector<8x1x64xi32> to vector<8x64x64xi32>
    %eq3A_20 = arith.cmpi eq, %eq3A_18, %eq3A_19 : vector<8x64x64xi32>
    %iota3A = tpu.iota {dimensions = array<i32: 1>} : vector<8x64x64xi32>
    %iota3A_21 = tpu.iota {dimensions = array<i32: 2>} : vector<8x64x64xi32>
    %gt3A = arith.cmpi sgt, %iota3A, %iota3A_21 : vector<8x64x64xi32>
    %and3A = arith.andi %eq3A_20, %gt3A : vector<8x64x64xi1>
    %jit3A = arith.constant 1.000000e+00 : f32
    %jit3A_22 = arith.constant 0.000000e+00 : f32
    %broadcast_in_dim3A = vector.broadcast %jit3A : f32 to vector<8x64x64xf32>
    %broadcast_in_dim3A_23 = vector.broadcast %jit3A_22 : f32 to vector<8x64x64xf32>
    %select_n3A = arith.select %and3A, %broadcast_in_dim3A, %broadcast_in_dim3A_23 : vector<8x64x64xi1>, vector<8x64x64xf32>
    %reshape3A = vector.shape_cast %select_n3A : vector<8x64x64xf32> to vector<512x64xf32>
    %broadcast_in_dim3A_24 = arith.constant 1.000000e+00 : f32
    %broadcast_in_dim3A_25 = vector.broadcast %broadcast_in_dim3A_24 : f32 to vector<64x64xf32>
    %convert_element_type3A_26 = arith.truncf %reshape3A : vector<512x64xf32> to vector<512x64xbf16>
    %convert_element_type3A_27 = arith.truncf %broadcast_in_dim3A_25 : vector<64x64xf32> to vector<64x64xbf16>
    %dot_general3A = arith.constant dense<0.000000e+00> : vector<512x64xf32>
    %dot_general3A_28 = tpu.matmul %convert_element_type3A_26, %convert_element_type3A_27, %dot_general3A {dimension_numbers = #tpu.dot_dimension_numbers<[1], [0], [0], [1], [0, 0, 1, 1], [], []>, transpose_lhs_hint = false} : vector<512x64xbf16>, vector<64x64xbf16>, vector<512x64xf32> -> vector<512x64xf32>
    %convert_element_type3A_29 = arith.fptosi %dot_general3A_28 : vector<512x64xf32> to vector<512x64xi32>
    %reshape3A_30 = vector.shape_cast %get3A_6 : vector<8x64x1xi32> to vector<512x1xi32>
    %get3A_31 = arith.constant 0 : index
    %get3A_32 = arith.constant 0 : index
    %get3A_33 = vector.load %arg17[%get3A_31, %get3A_32] : memref<1x2xi32, #tpu.memory_space<vmem>>, vector<1x1xi32>
    %get3A_34 = arith.constant 0 : index
    %get3A_35 = arith.constant 1 : index
    %get3A_36 = vector.load %arg17[%get3A_34, %get3A_35] : memref<1x2xi32, #tpu.memory_space<vmem>>, vector<1x1xi32>
    %slice3A = vector.extract_strided_slice %reshape3A_30 {offsets = [63, 0], sizes = [1, 1], strides = [1, 1]} : vector<512x1xi32> to vector<1x1xi32>
    %slice3A_37 = vector.extract_strided_slice %convert_element_type3A_29 {offsets = [63, 0], sizes = [1, 1], strides = [1, 1]} : vector<512x64xi32> to vector<1x1xi32>
    %eq3A_38 = arith.cmpi eq, %slice3A, %get3A_33 : vector<1x1xi32>
    %add3A = arith.constant 1 : i32
    %add3A_39 = vector.broadcast %add3A : i32 to vector<1x1xi32>
    %add3A_40 = arith.addi %get3A_36, %add3A_39 : vector<1x1xi32>
    %jit3A_41 = arith.constant 0 : i32
    %broadcast_in_dim3A_42 = vector.broadcast %jit3A_41 : i32 to vector<1x1xi32>
    %select_n3A_43 = arith.select %eq3A_38, %add3A_40, %broadcast_in_dim3A_42 : vector<1x1xi1>, vector<1x1xi32>
    %add3A_44 = arith.addi %slice3A_37, %select_n3A_43 : vector<1x1xi32>
    %slice3A_45 = vector.extract_strided_slice %reshape3A_30 {offsets = [127, 0], sizes = [1, 1], strides = [1, 1]} : vector<512x1xi32> to vector<1x1xi32>
    %slice3A_46 = vector.extract_strided_slice %convert_element_type3A_29 {offsets = [127, 0], sizes = [1, 1], strides = [1, 1]} : vector<512x64xi32> to vector<1x1xi32>
    %eq3A_47 = arith.cmpi eq, %slice3A_45, %slice3A : vector<1x1xi32>
    %add3A_48 = arith.constant 1 : i32
    %add3A_49 = vector.broadcast %add3A_48 : i32 to vector<1x1xi32>
    %add3A_50 = arith.addi %add3A_44, %add3A_49 : vector<1x1xi32>
    %jit3A_51 = arith.constant 0 : i32
    %broadcast_in_dim3A_52 = vector.broadcast %jit3A_51 : i32 to vector<1x1xi32>
    %select_n3A_53 = arith.select %eq3A_47, %add3A_50, %broadcast_in_dim3A_52 : vector<1x1xi1>, vector<1x1xi32>
    %add3A_54 = arith.addi %slice3A_46, %select_n3A_53 : vector<1x1xi32>
    %slice3A_55 = vector.extract_strided_slice %reshape3A_30 {offsets = [191, 0], sizes = [1, 1], strides = [1, 1]} : vector<512x1xi32> to vector<1x1xi32>
    %slice3A_56 = vector.extract_strided_slice %convert_element_type3A_29 {offsets = [191, 0], sizes = [1, 1], strides = [1, 1]} : vector<512x64xi32> to vector<1x1xi32>
    %eq3A_57 = arith.cmpi eq, %slice3A_55, %slice3A_45 : vector<1x1xi32>
    %add3A_58 = arith.constant 1 : i32
    %add3A_59 = vector.broadcast %add3A_58 : i32 to vector<1x1xi32>
    %add3A_60 = arith.addi %add3A_54, %add3A_59 : vector<1x1xi32>
    %jit3A_61 = arith.constant 0 : i32
    %broadcast_in_dim3A_62 = vector.broadcast %jit3A_61 : i32 to vector<1x1xi32>
    %select_n3A_63 = arith.select %eq3A_57, %add3A_60, %broadcast_in_dim3A_62 : vector<1x1xi1>, vector<1x1xi32>
    %add3A_64 = arith.addi %slice3A_56, %select_n3A_63 : vector<1x1xi32>
    %slice3A_65 = vector.extract_strided_slice %reshape3A_30 {offsets = [255, 0], sizes = [1, 1], strides = [1, 1]} : vector<512x1xi32> to vector<1x1xi32>
    %slice3A_66 = vector.extract_strided_slice %convert_element_type3A_29 {offsets = [255, 0], sizes = [1, 1], strides = [1, 1]} : vector<512x64xi32> to vector<1x1xi32>
    %eq3A_67 = arith.cmpi eq, %slice3A_65, %slice3A_55 : vector<1x1xi32>
    %add3A_68 = arith.constant 1 : i32
    %add3A_69 = vector.broadcast %add3A_68 : i32 to vector<1x1xi32>
    %add3A_70 = arith.addi %add3A_64, %add3A_69 : vector<1x1xi32>
    %jit3A_71 = arith.constant 0 : i32
    %broadcast_in_dim3A_72 = vector.broadcast %jit3A_71 : i32 to vector<1x1xi32>
    %select_n3A_73 = arith.select %eq3A_67, %add3A_70, %broadcast_in_dim3A_72 : vector<1x1xi1>, vector<1x1xi32>
    %add3A_74 = arith.addi %slice3A_66, %select_n3A_73 : vector<1x1xi32>
    %slice3A_75 = vector.extract_strided_slice %reshape3A_30 {offsets = [319, 0], sizes = [1, 1], strides = [1, 1]} : vector<512x1xi32> to vector<1x1xi32>
    %slice3A_76 = vector.extract_strided_slice %convert_element_type3A_29 {offsets = [319, 0], sizes = [1, 1], strides = [1, 1]} : vector<512x64xi32> to vector<1x1xi32>
    %eq3A_77 = arith.cmpi eq, %slice3A_75, %slice3A_65 : vector<1x1xi32>
    %add3A_78 = arith.constant 1 : i32
    %add3A_79 = vector.broadcast %add3A_78 : i32 to vector<1x1xi32>
    %add3A_80 = arith.addi %add3A_74, %add3A_79 : vector<1x1xi32>
    %jit3A_81 = arith.constant 0 : i32
    %broadcast_in_dim3A_82 = vector.broadcast %jit3A_81 : i32 to vector<1x1xi32>
    %select_n3A_83 = arith.select %eq3A_77, %add3A_80, %broadcast_in_dim3A_82 : vector<1x1xi1>, vector<1x1xi32>
    %add3A_84 = arith.addi %slice3A_76, %select_n3A_83 : vector<1x1xi32>
    %slice3A_85 = vector.extract_strided_slice %reshape3A_30 {offsets = [383, 0], sizes = [1, 1], strides = [1, 1]} : vector<512x1xi32> to vector<1x1xi32>
    %slice3A_86 = vector.extract_strided_slice %convert_element_type3A_29 {offsets = [383, 0], sizes = [1, 1], strides = [1, 1]} : vector<512x64xi32> to vector<1x1xi32>
    %eq3A_87 = arith.cmpi eq, %slice3A_85, %slice3A_75 : vector<1x1xi32>
    %add3A_88 = arith.constant 1 : i32
    %add3A_89 = vector.broadcast %add3A_88 : i32 to vector<1x1xi32>
    %add3A_90 = arith.addi %add3A_84, %add3A_89 : vector<1x1xi32>
    %jit3A_91 = arith.constant 0 : i32
    %broadcast_in_dim3A_92 = vector.broadcast %jit3A_91 : i32 to vector<1x1xi32>
    %select_n3A_93 = arith.select %eq3A_87, %add3A_90, %broadcast_in_dim3A_92 : vector<1x1xi1>, vector<1x1xi32>
    %add3A_94 = arith.addi %slice3A_86, %select_n3A_93 : vector<1x1xi32>
    %slice3A_95 = vector.extract_strided_slice %reshape3A_30 {offsets = [447, 0], sizes = [1, 1], strides = [1, 1]} : vector<512x1xi32> to vector<1x1xi32>
    %slice3A_96 = vector.extract_strided_slice %convert_element_type3A_29 {offsets = [447, 0], sizes = [1, 1], strides = [1, 1]} : vector<512x64xi32> to vector<1x1xi32>
    %eq3A_97 = arith.cmpi eq, %slice3A_95, %slice3A_85 : vector<1x1xi32>
    %add3A_98 = arith.constant 1 : i32
    %add3A_99 = vector.broadcast %add3A_98 : i32 to vector<1x1xi32>
    %add3A_100 = arith.addi %add3A_94, %add3A_99 : vector<1x1xi32>
    %jit3A_101 = arith.constant 0 : i32
    %broadcast_in_dim3A_102 = vector.broadcast %jit3A_101 : i32 to vector<1x1xi32>
    %select_n3A_103 = arith.select %eq3A_97, %add3A_100, %broadcast_in_dim3A_102 : vector<1x1xi1>, vector<1x1xi32>
    %add3A_104 = arith.addi %slice3A_96, %select_n3A_103 : vector<1x1xi32>
    %slice3A_105 = vector.extract_strided_slice %reshape3A_30 {offsets = [511, 0], sizes = [1, 1], strides = [1, 1]} : vector<512x1xi32> to vector<1x1xi32>
    %slice3A_106 = vector.extract_strided_slice %convert_element_type3A_29 {offsets = [511, 0], sizes = [1, 1], strides = [1, 1]} : vector<512x64xi32> to vector<1x1xi32>
    %eq3A_107 = arith.cmpi eq, %slice3A_105, %slice3A_95 : vector<1x1xi32>
    %add3A_108 = arith.constant 1 : i32
    %add3A_109 = vector.broadcast %add3A_108 : i32 to vector<1x1xi32>
    %add3A_110 = arith.addi %add3A_104, %add3A_109 : vector<1x1xi32>
    %jit3A_111 = arith.constant 0 : i32
    %broadcast_in_dim3A_112 = vector.broadcast %jit3A_111 : i32 to vector<1x1xi32>
    %select_n3A_113 = arith.select %eq3A_107, %add3A_110, %broadcast_in_dim3A_112 : vector<1x1xi1>, vector<1x1xi32>
    %add3A_114 = arith.addi %slice3A_106, %select_n3A_113 : vector<1x1xi32>
    %concatenate3A = tpu.concatenate %slice3A_105, %add3A_114 in 1 : vector<1x1xi32>, vector<1x1xi32> -> vector<1x2xi32>
    %swap3A = arith.constant 0 : index
    %swap3A_115 = arith.constant 0 : index
    %swap3A_116 = vector.load %arg17[%swap3A, %swap3A_115] : memref<1x2xi32, #tpu.memory_space<vmem>>, vector<1x2xi32>
    tpu.vector_store %arg17[%swap3A, %swap3A_115], %concatenate3A {strides = array<i32>} : memref<1x2xi32, #tpu.memory_space<vmem>>, vector<1x2xi32>,
    %slice3A_117 = vector.extract_strided_slice %reshape3A_30 {offsets = [0, 0], sizes = [64, 1], strides = [1, 1]} : vector<512x1xi32> to vector<64x1xi32>
    %eq3A_118 = vector.broadcast %get3A_33 : vector<1x1xi32> to vector<64x1xi32>
    %eq3A_119 = arith.cmpi eq, %slice3A_117, %eq3A_118 : vector<64x1xi32>
    %add3A_120 = arith.constant 1 : i32
    %add3A_121 = vector.broadcast %add3A_120 : i32 to vector<1x1xi32>
    %add3A_122 = arith.addi %get3A_36, %add3A_121 : vector<1x1xi32>
    %jit3A_123 = arith.constant 0 : i32
    %broadcast_in_dim3A_124 = vector.shape_cast %add3A_122 : vector<1x1xi32> to vector<1x1xi32>
    %broadcast_in_dim3A_125 = vector.broadcast %broadcast_in_dim3A_124 : vector<1x1xi32> to vector<64x1xi32>
    %broadcast_in_dim3A_126 = vector.broadcast %jit3A_123 : i32 to vector<64x1xi32>
    %select_n3A_127 = arith.select %eq3A_119, %broadcast_in_dim3A_125, %broadcast_in_dim3A_126 : vector<64x1xi1>, vector<64x1xi32>
    %slice3A_128 = vector.extract_strided_slice %reshape3A_30 {offsets = [64, 0], sizes = [64, 1], strides = [1, 1]} : vector<512x1xi32> to vector<64x1xi32>
    %eq3A_129 = vector.broadcast %slice3A : vector<1x1xi32> to vector<64x1xi32>
    %eq3A_130 = arith.cmpi eq, %slice3A_128, %eq3A_129 : vector<64x1xi32>
    %add3A_131 = arith.constant 1 : i32
    %add3A_132 = vector.broadcast %add3A_131 : i32 to vector<1x1xi32>
    %add3A_133 = arith.addi %add3A_44, %add3A_132 : vector<1x1xi32>
    %jit3A_134 = arith.constant 0 : i32
    %broadcast_in_dim3A_135 = vector.shape_cast %add3A_133 : vector<1x1xi32> to vector<1x1xi32>
    %broadcast_in_dim3A_136 = vector.broadcast %broadcast_in_dim3A_135 : vector<1x1xi32> to vector<64x1xi32>
    %broadcast_in_dim3A_137 = vector.broadcast %jit3A_134 : i32 to vector<64x1xi32>
    %select_n3A_138 = arith.select %eq3A_130, %broadcast_in_dim3A_136, %broadcast_in_dim3A_137 : vector<64x1xi1>, vector<64x1xi32>
    %slice3A_139 = vector.extract_strided_slice %reshape3A_30 {offsets = [128, 0], sizes = [64, 1], strides = [1, 1]} : vector<512x1xi32> to vector<64x1xi32>
    %eq3A_140 = vector.broadcast %slice3A_45 : vector<1x1xi32> to vector<64x1xi32>
    %eq3A_141 = arith.cmpi eq, %slice3A_139, %eq3A_140 : vector<64x1xi32>
    %add3A_142 = arith.constant 1 : i32
    %add3A_143 = vector.broadcast %add3A_142 : i32 to vector<1x1xi32>
    %add3A_144 = arith.addi %add3A_54, %add3A_143 : vector<1x1xi32>
    %jit3A_145 = arith.constant 0 : i32
    %broadcast_in_dim3A_146 = vector.shape_cast %add3A_144 : vector<1x1xi32> to vector<1x1xi32>
    %broadcast_in_dim3A_147 = vector.broadcast %broadcast_in_dim3A_146 : vector<1x1xi32> to vector<64x1xi32>
    %broadcast_in_dim3A_148 = vector.broadcast %jit3A_145 : i32 to vector<64x1xi32>
    %select_n3A_149 = arith.select %eq3A_141, %broadcast_in_dim3A_147, %broadcast_in_dim3A_148 : vector<64x1xi1>, vector<64x1xi32>
    %slice3A_150 = vector.extract_strided_slice %reshape3A_30 {offsets = [192, 0], sizes = [64, 1], strides = [1, 1]} : vector<512x1xi32> to vector<64x1xi32>
    %eq3A_151 = vector.broadcast %slice3A_55 : vector<1x1xi32> to vector<64x1xi32>
    %eq3A_152 = arith.cmpi eq, %slice3A_150, %eq3A_151 : vector<64x1xi32>
    %add3A_153 = arith.constant 1 : i32
    %add3A_154 = vector.broadcast %add3A_153 : i32 to vector<1x1xi32>
    %add3A_155 = arith.addi %add3A_64, %add3A_154 : vector<1x1xi32>
    %jit3A_156 = arith.constant 0 : i32
    %broadcast_in_dim3A_157 = vector.shape_cast %add3A_155 : vector<1x1xi32> to vector<1x1xi32>
    %broadcast_in_dim3A_158 = vector.broadcast %broadcast_in_dim3A_157 : vector<1x1xi32> to vector<64x1xi32>
    %broadcast_in_dim3A_159 = vector.broadcast %jit3A_156 : i32 to vector<64x1xi32>
    %select_n3A_160 = arith.select %eq3A_152, %broadcast_in_dim3A_158, %broadcast_in_dim3A_159 : vector<64x1xi1>, vector<64x1xi32>
    %slice3A_161 = vector.extract_strided_slice %reshape3A_30 {offsets = [256, 0], sizes = [64, 1], strides = [1, 1]} : vector<512x1xi32> to vector<64x1xi32>
    %eq3A_162 = vector.broadcast %slice3A_65 : vector<1x1xi32> to vector<64x1xi32>
    %eq3A_163 = arith.cmpi eq, %slice3A_161, %eq3A_162 : vector<64x1xi32>
    %add3A_164 = arith.constant 1 : i32
    %add3A_165 = vector.broadcast %add3A_164 : i32 to vector<1x1xi32>
    %add3A_166 = arith.addi %add3A_74, %add3A_165 : vector<1x1xi32>
    %jit3A_167 = arith.constant 0 : i32
    %broadcast_in_dim3A_168 = vector.shape_cast %add3A_166 : vector<1x1xi32> to vector<1x1xi32>
    %broadcast_in_dim3A_169 = vector.broadcast %broadcast_in_dim3A_168 : vector<1x1xi32> to vector<64x1xi32>
    %broadcast_in_dim3A_170 = vector.broadcast %jit3A_167 : i32 to vector<64x1xi32>
    %select_n3A_171 = arith.select %eq3A_163, %broadcast_in_dim3A_169, %broadcast_in_dim3A_170 : vector<64x1xi1>, vector<64x1xi32>
    %slice3A_172 = vector.extract_strided_slice %reshape3A_30 {offsets = [320, 0], sizes = [64, 1], strides = [1, 1]} : vector<512x1xi32> to vector<64x1xi32>
    %eq3A_173 = vector.broadcast %slice3A_75 : vector<1x1xi32> to vector<64x1xi32>
    %eq3A_174 = arith.cmpi eq, %slice3A_172, %eq3A_173 : vector<64x1xi32>
    %add3A_175 = arith.constant 1 : i32
    %add3A_176 = vector.broadcast %add3A_175 : i32 to vector<1x1xi32>
    %add3A_177 = arith.addi %add3A_84, %add3A_176 : vector<1x1xi32>
    %jit3A_178 = arith.constant 0 : i32
    %broadcast_in_dim3A_179 = vector.shape_cast %add3A_177 : vector<1x1xi32> to vector<1x1xi32>
    %broadcast_in_dim3A_180 = vector.broadcast %broadcast_in_dim3A_179 : vector<1x1xi32> to vector<64x1xi32>
    %broadcast_in_dim3A_181 = vector.broadcast %jit3A_178 : i32 to vector<64x1xi32>
    %select_n3A_182 = arith.select %eq3A_174, %broadcast_in_dim3A_180, %broadcast_in_dim3A_181 : vector<64x1xi1>, vector<64x1xi32>
    %slice3A_183 = vector.extract_strided_slice %reshape3A_30 {offsets = [384, 0], sizes = [64, 1], strides = [1, 1]} : vector<512x1xi32> to vector<64x1xi32>
    %eq3A_184 = vector.broadcast %slice3A_85 : vector<1x1xi32> to vector<64x1xi32>
    %eq3A_185 = arith.cmpi eq, %slice3A_183, %eq3A_184 : vector<64x1xi32>
    %add3A_186 = arith.constant 1 : i32
    %add3A_187 = vector.broadcast %add3A_186 : i32 to vector<1x1xi32>
    %add3A_188 = arith.addi %add3A_94, %add3A_187 : vector<1x1xi32>
    %jit3A_189 = arith.constant 0 : i32
    %broadcast_in_dim3A_190 = vector.shape_cast %add3A_188 : vector<1x1xi32> to vector<1x1xi32>
    %broadcast_in_dim3A_191 = vector.broadcast %broadcast_in_dim3A_190 : vector<1x1xi32> to vector<64x1xi32>
    %broadcast_in_dim3A_192 = vector.broadcast %jit3A_189 : i32 to vector<64x1xi32>
    %select_n3A_193 = arith.select %eq3A_185, %broadcast_in_dim3A_191, %broadcast_in_dim3A_192 : vector<64x1xi1>, vector<64x1xi32>
    %slice3A_194 = vector.extract_strided_slice %reshape3A_30 {offsets = [448, 0], sizes = [64, 1], strides = [1, 1]} : vector<512x1xi32> to vector<64x1xi32>
    %eq3A_195 = vector.broadcast %slice3A_95 : vector<1x1xi32> to vector<64x1xi32>
    %eq3A_196 = arith.cmpi eq, %slice3A_194, %eq3A_195 : vector<64x1xi32>
    %add3A_197 = arith.constant 1 : i32
    %add3A_198 = vector.broadcast %add3A_197 : i32 to vector<1x1xi32>
    %add3A_199 = arith.addi %add3A_104, %add3A_198 : vector<1x1xi32>
    %jit3A_200 = arith.constant 0 : i32
    %broadcast_in_dim3A_201 = vector.shape_cast %add3A_199 : vector<1x1xi32> to vector<1x1xi32>
    %broadcast_in_dim3A_202 = vector.broadcast %broadcast_in_dim3A_201 : vector<1x1xi32> to vector<64x1xi32>
    %broadcast_in_dim3A_203 = vector.broadcast %jit3A_200 : i32 to vector<64x1xi32>
    %select_n3A_204 = arith.select %eq3A_196, %broadcast_in_dim3A_202, %broadcast_in_dim3A_203 : vector<64x1xi1>, vector<64x1xi32>
    %concatenate3A_205 = tpu.concatenate %select_n3A_127, %select_n3A_138, %select_n3A_149, %select_n3A_160, %select_n3A_171, %select_n3A_182, %select_n3A_193, %select_n3A_204 in 0 : vector<64x1xi32>, vector<64x1xi32>, vector<64x1xi32>, vector<64x1xi32>, vector<64x1xi32>, vector<64x1xi32>, vector<64x1xi32>, vector<64x1xi32> -> vector<512x1xi32>
    %add3A_206 = vector.broadcast %concatenate3A_205 : vector<512x1xi32> to vector<512x64xi32>
    %add3A_207 = arith.addi %convert_element_type3A_29, %add3A_206 : vector<512x64xi32>
    %iota3A_208 = tpu.iota {dimensions = array<i32: 1>} : vector<512x64xi32>
    %eq3A_209 = arith.cmpi eq, %add3A_207, %iota3A_208 : vector<512x64xi32>
    %convert_element_type3A_210 = arith.extui %eq3A_209 : vector<512x64xi1> to vector<512x64xi32>
    %convert_element_type3A_211 = arith.sitofp %convert_element_type3A_210 : vector<512x64xi32> to vector<512x64xf32>
    %get3A_212 = arith.constant 0 : index
    %get3A_213 = arith.constant 0 : index
    %get3A_214 = vector.load %arg16[%get3A_212, %get3A_213] : memref<72x64xf32, #tpu.memory_space<vmem>>, vector<64x64xf32>
    %convert_element_type3A_215 = arith.truncf %convert_element_type3A_211 : vector<512x64xf32> to vector<512x64xbf16>
    %convert_element_type3A_216 = arith.truncf %get3A_214 : vector<64x64xf32> to vector<64x64xbf16>
    %dot_general3A_217 = arith.constant dense<0.000000e+00> : vector<512x64xf32>
    %dot_general3A_218 = tpu.matmul %convert_element_type3A_215, %convert_element_type3A_216, %dot_general3A_217 {dimension_numbers = #tpu.dot_dimension_numbers<[1], [0], [0], [1], [0, 0, 1, 1], [], []>, transpose_lhs_hint = false} : vector<512x64xbf16>, vector<64x64xbf16>, vector<512x64xf32> -> vector<512x64xf32>
    %get3A_219 = arith.constant 64 : index
    %get3A_220 = arith.constant 0 : index
    %get3A_221 = vector.load %arg16[%get3A_219, %get3A_220] : memref<72x64xf32, #tpu.memory_space<vmem>>, vector<1x64xf32>
    %ge3A = arith.constant 64 : i32
    %ge3A_222 = vector.broadcast %ge3A : i32 to vector<512x64xi32>
    %ge3A_223 = arith.cmpi sge, %add3A_207, %ge3A_222 : vector<512x64xi32>
    %jit3A_224 = arith.constant 1.000000e+00 : f32
    %jit3A_225 = arith.constant 0.000000e+00 : f32
    %broadcast_in_dim3A_226 = vector.broadcast %jit3A_224 : f32 to vector<512x64xf32>
    %broadcast_in_dim3A_227 = vector.broadcast %jit3A_225 : f32 to vector<512x64xf32>
    %select_n3A_228 = arith.select %ge3A_223, %broadcast_in_dim3A_226, %broadcast_in_dim3A_227 : vector<512x64xi1>, vector<512x64xf32>
    %mul3A = vector.broadcast %get3A_221 : vector<1x64xf32> to vector<512x64xf32>
    %mul3A_229 = arith.mulf %select_n3A_228, %mul3A : vector<512x64xf32>
    %add3A_230 = arith.addf %dot_general3A_218, %mul3A_229 : vector<512x64xf32>
    %iota3A_231 = tpu.iota {dimensions = array<i32: 0>} : vector<128x64xi32>
    %iota3A_232 = tpu.iota {dimensions = array<i32: 1>} : vector<128x64xi32>
    %eq3A_233 = arith.cmpi eq, %iota3A_231, %iota3A_232 : vector<128x64xi32>
    %convert_element_type3A_234 = arith.extui %eq3A_233 : vector<128x64xi1> to vector<128x64xi32>
    %convert_element_type3A_235 = arith.sitofp %convert_element_type3A_234 : vector<128x64xi32> to vector<128x64xf32>
    %get3A_236 = arith.constant 0 : index
    %get3A_237 = arith.constant 0 : index
    %get3A_238 = vector.load %arg1[%get3A_236, %get3A_237] : memref<512x128xf32, #tpu.memory_space<vmem>>, vector<512x128xf32>
    %convert_element_type3A_239 = arith.truncf %get3A_238 : vector<512x128xf32> to vector<512x128xbf16>
    %convert_element_type3A_240 = arith.truncf %convert_element_type3A_235 : vector<128x64xf32> to vector<128x64xbf16>
    %dot_general3A_241 = arith.constant dense<0.000000e+00> : vector<512x64xf32>
    %dot_general3A_242 = tpu.matmul %convert_element_type3A_239, %convert_element_type3A_240, %dot_general3A_241 {dimension_numbers = #tpu.dot_dimension_numbers<[1], [0], [0], [1], [0, 0, 1, 1], [], []>, transpose_lhs_hint = false} : vector<512x128xbf16>, vector<128x64xbf16>, vector<512x64xf32> -> vector<512x64xf32>
    %get3A_243 = arith.constant 0 : index
    %get3A_244 = arith.constant 0 : index
    %get3A_245 = vector.load %arg10[%get3A_243, %get3A_244] : memref<1x64xf32, #tpu.memory_space<vmem>>, vector<1x64xf32>
    %add3A_246 = vector.broadcast %get3A_245 : vector<1x64xf32> to vector<512x64xf32>
    %add3A_247 = arith.addf %dot_general3A_242, %add3A_246 : vector<512x64xf32>
    %mul3A_248 = arith.mulf %add3A_247, %add3A_230 : vector<512x64xf32>
    %get3A_249 = arith.constant 0 : index
    %get3A_250 = arith.constant 0 : index
    %get3A_251 = vector.load %arg11[%get3A_249, %get3A_250] : memref<64x64xf32, #tpu.memory_space<vmem>>, vector<64x64xf32>
    %convert_element_type3A_252 = arith.truncf %mul3A_248 : vector<512x64xf32> to vector<512x64xbf16>
    %convert_element_type3A_253 = arith.truncf %get3A_251 : vector<64x64xf32> to vector<64x64xbf16>
    %dot_general3A_254 = arith.constant dense<0.000000e+00> : vector<512x64xf32>
    %dot_general3A_255 = tpu.matmul %convert_element_type3A_252, %convert_element_type3A_253, %dot_general3A_254 {dimension_numbers = #tpu.dot_dimension_numbers<[1], [0], [0], [1], [0, 0, 1, 1], [], []>, transpose_lhs_hint = false} : vector<512x64xbf16>, vector<64x64xbf16>, vector<512x64xf32> -> vector<512x64xf32>
    %get3A_256 = arith.constant 0 : index
    %get3A_257 = arith.constant 0 : index
    %get3A_258 = vector.load %arg12[%get3A_256, %get3A_257] : memref<1x64xf32, #tpu.memory_space<vmem>>, vector<1x64xf32>
    %add3A_259 = vector.broadcast %get3A_258 : vector<1x64xf32> to vector<512x64xf32>
    %add3A_260 = arith.addf %dot_general3A_255, %add3A_259 : vector<512x64xf32>
    %custom_jvp_call3A = arith.constant 0.000000e+00 : f32
    %max3A = vector.broadcast %custom_jvp_call3A : f32 to vector<512x64xf32>
    %max3A_261 = arith.maximumf %add3A_260, %max3A : vector<512x64xf32>
    %sub3A = vector.broadcast %custom_jvp_call3A : f32 to vector<512x64xf32>
    %sub3A_262 = arith.subf %add3A_260, %sub3A : vector<512x64xf32>
    %ne3A = arith.cmpf one, %sub3A_262, %sub3A_262 : vector<512x64xf32>
    %add3A_263 = vector.broadcast %custom_jvp_call3A : f32 to vector<512x64xf32>
    %add3A_264 = arith.addf %add3A_260, %add3A_263 : vector<512x64xf32>
    %abs3A = math.absf %sub3A_262 : vector<512x64xf32>
    %neg3A = arith.constant 0.000000e+00 : f32
    %neg3A_265 = vector.broadcast %neg3A : f32 to vector<512x64xf32>
    %neg3A_266 = arith.subf %neg3A_265, %abs3A : vector<512x64xf32>
    %exp3A = math.exp %neg3A_266 : vector<512x64xf32>
    %log1p3A = math.log1p %exp3A : vector<512x64xf32>
    %add3A_267 = arith.addf %max3A_261, %log1p3A : vector<512x64xf32>
    %select_n3A_268 = arith.select %ne3A, %add3A_264, %add3A_267 : vector<512x64xi1>, vector<512x64xf32>
    %tanh3A = math.tanh %select_n3A_268 : vector<512x64xf32>
    %mul3A_269 = arith.mulf %add3A_260, %tanh3A : vector<512x64xf32>
    %get3A_270 = arith.constant 0 : index
    %get3A_271 = arith.constant 0 : index
    %get3A_272 = vector.load %arg13[%get3A_270, %get3A_271] : memref<64x64xf32, #tpu.memory_space<vmem>>, vector<64x64xf32>
    %convert_element_type3A_273 = arith.truncf %mul3A_269 : vector<512x64xf32> to vector<512x64xbf16>
    %convert_element_type3A_274 = arith.truncf %get3A_272 : vector<64x64xf32> to vector<64x64xbf16>
    %dot_general3A_275 = arith.constant dense<0.000000e+00> : vector<512x64xf32>
    %dot_general3A_276 = tpu.matmul %convert_element_type3A_273, %convert_element_type3A_274, %dot_general3A_275 {dimension_numbers = #tpu.dot_dimension_numbers<[1], [0], [0], [1], [0, 0, 1, 1], [], []>, transpose_lhs_hint = false} : vector<512x64xbf16>, vector<64x64xbf16>, vector<512x64xf32> -> vector<512x64xf32>
    %get3A_277 = arith.constant 0 : index
    %get3A_278 = arith.constant 0 : index
    %get3A_279 = vector.load %arg14[%get3A_277, %get3A_278] : memref<1x64xf32, #tpu.memory_space<vmem>>, vector<1x64xf32>
    %add3A_280 = vector.broadcast %get3A_279 : vector<1x64xf32> to vector<512x64xf32>
    %add3A_281 = arith.addf %dot_general3A_276, %add3A_280 : vector<512x64xf32>
    %swap3A_282 = arith.constant 0 : index
    %swap3A_283 = arith.constant 0 : index
    %swap3A_284 = vector.load %arg15[%swap3A_282, %swap3A_283] : memref<512x64xf32, #tpu.memory_space<vmem>>, vector<512x64xf32>
    tpu.vector_store %arg15[%swap3A_282, %swap3A_283], %add3A_281 {strides = array<i32>} : memref<512x64xf32, #tpu.memory_space<vmem>>, vector<512x64xf32>,
    return
  }
  func.func @transform_0(%arg0: i32) -> (i32, i32) {
    %c0_i32 = arith.constant 0 : i32
    %c0_i32_0 = arith.constant 0 : i32
    return %arg0, %c0_i32 : i32, i32
  }
  func.func @transform_1(%arg0: i32) -> (i32, i32, i32, i32) {
    %c0_i32 = arith.constant 0 : i32
    %c0_i32_0 = arith.constant 0 : i32
    %c0_i32_1 = arith.constant 0 : i32
    %c0_i32_2 = arith.constant 0 : i32
    return %arg0, %c0_i32, %c0_i32_0, %c0_i32_1 : i32, i32, i32, i32
  }
  func.func @transform_2(%arg0: i32) -> (i32, i32, i32, i32) {
    %c0_i32 = arith.constant 0 : i32
    %c0_i32_0 = arith.constant 0 : i32
    %c0_i32_1 = arith.constant 0 : i32
    %c0_i32_2 = arith.constant 0 : i32
    return %arg0, %c0_i32, %c0_i32_0, %c0_i32_1 : i32, i32, i32, i32
  }
  func.func @transform_3(%arg0: i32) -> (i32, i32) {
    %c0_i32 = arith.constant 0 : i32
    %c0_i32_0 = arith.constant 0 : i32
    %c0_i32_1 = arith.constant 0 : i32
    return %c0_i32, %c0_i32_0 : i32, i32
  }
  func.func @transform_4(%arg0: i32) -> (i32, i32) {
    %c0_i32 = arith.constant 0 : i32
    %c0_i32_0 = arith.constant 0 : i32
    %c0_i32_1 = arith.constant 0 : i32
    return %c0_i32, %c0_i32_0 : i32, i32
  }
  func.func @transform_5(%arg0: i32) -> (i32, i32) {
    %c0_i32 = arith.constant 0 : i32
    %c0_i32_0 = arith.constant 0 : i32
    %c0_i32_1 = arith.constant 0 : i32
    return %c0_i32, %c0_i32_0 : i32, i32
  }
  func.func @transform_6(%arg0: i32) -> (i32, i32) {
    %c0_i32 = arith.constant 0 : i32
    %c0_i32_0 = arith.constant 0 : i32
    %c0_i32_1 = arith.constant 0 : i32
    return %c0_i32, %c0_i32_0 : i32, i32
  }
  func.func @transform_7(%arg0: i32) -> (i32, i32) {
    %c0_i32 = arith.constant 0 : i32
    %c0_i32_0 = arith.constant 0 : i32
    %c0_i32_1 = arith.constant 0 : i32
    return %c0_i32, %c0_i32_0 : i32, i32
  }
  func.func @transform_8(%arg0: i32) -> (i32, i32) {
    %c0_i32 = arith.constant 0 : i32
    %c0_i32_0 = arith.constant 0 : i32
    %c0_i32_1 = arith.constant 0 : i32
    return %c0_i32, %c0_i32_0 : i32, i32
  }
  func.func @transform_9(%arg0: i32) -> (i32, i32) {
    %c0_i32 = arith.constant 0 : i32
    %c0_i32_0 = arith.constant 0 : i32
    %c0_i32_1 = arith.constant 0 : i32
    return %c0_i32, %c0_i32_0 : i32, i32
  }
  func.func @transform_10(%arg0: i32) -> (i32, i32) {
    %c0_i32 = arith.constant 0 : i32
    %c0_i32_0 = arith.constant 0 : i32
    %c0_i32_1 = arith.constant 0 : i32
    return %c0_i32, %c0_i32_0 : i32, i32
  }
  func.func @transform_11(%arg0: i32) -> (i32, i32) {
    %c0_i32 = arith.constant 0 : i32
    %c0_i32_0 = arith.constant 0 : i32
    %c0_i32_1 = arith.constant 0 : i32
    return %c0_i32, %c0_i32_0 : i32, i32
  }
  func.func @transform_12(%arg0: i32) -> (i32, i32) {
    %c0_i32 = arith.constant 0 : i32
    %c0_i32_0 = arith.constant 0 : i32
    %c0_i32_1 = arith.constant 0 : i32
    return %c0_i32, %c0_i32_0 : i32, i32
  }
  func.func @transform_13(%arg0: i32) -> (i32, i32) {
    %c0_i32 = arith.constant 0 : i32
    %c0_i32_0 = arith.constant 0 : i32
    %c0_i32_1 = arith.constant 0 : i32
    return %c0_i32, %c0_i32_0 : i32, i32
  }
  func.func @transform_14(%arg0: i32) -> (i32, i32) {
    %c0_i32 = arith.constant 0 : i32
    %c0_i32_0 = arith.constant 0 : i32
    return %arg0, %c0_i32 : i32, i32
  }
}

</mosaic_0001>

<sc_bundles>
// kernel: kernel.5.cloned.1.call-start
scs
__scs_entry_jumppad:
0x0: {  	(pc) =	sbr.rel $0x88, $3  }
0x1: {  	(tag) =	ssettag $0x0;
	lr =	simm.s32 $0x1  }
0x2: {  	[smem:$0x3F8D] =	sst lr;
	_ =	strace $0xD0000000  }
0x3: {  	_ = 	snop  }
0x4: {  	_ = 	snop  }
0x5: {  	_ = 	snop  }
0x6: {  	_ = 	snop  }
0x7: {  	_ = 	snop  }
__scs_overlays_trampoline_lowered:
0x8: {  	[smem:$0x3F9C] =	sst s0  }
0x9: {  	[smem:$0x3F9D] =	sst s1  }
0xa: {  	[smem:$0x3F9E] =	sst s2  }
0xb: {  	[smem:$0x3F9F] =	sst s3  }
0xc: {  	[smem:$0x3FA0] =	sst s4  }
0xd: {  	[smem:$0x3FA1] =	sst s5  }
0xe: {  	[smem:$0x3FA2] =	sst s6  }
0xf: {  	[smem:$0x3FA3] =	sst s7  }
0x10: {  	[smem:$0x3FA4] =	sst s8  }
0x11: {  	[smem:$0x3FA5] =	sst s9;
	s0 =	simm.s32 @!p0 $0x0  }
0x12: {  	s1 =	sld [smem:$0x3F8B];
	s0 =	simm.s32 @p0 $0x1  }
0x13: {  	[smem:$0x3FA6] =	sst s0;
	s0 =	simm.s32 @!p1 $0x0  }
0x14: {  	s2 =	sld [smem:$0x3F8A];
	s0 =	simm.s32 @p1 $0x1  }
0x15: {  	[smem:$0x3FA7] =	sst s0;
	s0 =	simm.s32 @!p2 $0x0  }
0x16: {  	s3 =	sld [smem:$0x3FDB];
	s0 =	simm.s32 @p2 $0x1  }
0x17: {  	s4 =	simm.s32 $0x1BF5;
	[smem:$0x3FA9] =	sst s0  }
0x18: {  	s0 =	sld [smem:$0x3F8C];
	_ =	swait.ge [sflag:s4], $0x0  }
0x19: {  	s7 =	sld [smem:$0x3F8D]  }
0x1a: {  	s8 =	sadd.s32 $0xFFFFE003, lr  }
0x1b: {  	s9 =	sadd.s32 $0xFFFFFEF7, lr;
	s5 =	simm.s32 $0xFFFFFFFF;
	p2 =	slt.u32 s8, $0xFFFFF086  }
0x1c: {  	p1 =	slt.u32 s9, $0xF7A;
	s5 =	simm.s32 @!p2 $0x0  }
0x1d: {  	s5 =	simm.s32 @p1 $0x1;
	p0 =	seq.s32 s7, s2  }
0x1e: {  	s7 =	smul.u32 @!p0 $0xF7A, s2;
	p2 =	seq.s32 @!p0 s5, $0x0  }
0x1f: {  	s9 =	smul.u32 $0xF7A, s1;
	s8 =	simm.s32 @!p0 $0x1BF5;
	p2 =	por !p2, p0  }
0x20: {  	[sflag:s8] =	ssyncset.s32 @!p0 $0xFFFFF086;
	s6 =	sadd.s32 @!p0 s3, s7;
	s7 =	simm.s32 @!p0 $0x108  }
0x21: {  	s3 =	sadd.s32 s3, s9;
	s6 =	sadd.s32 @!p0 $0x88, s6;
	s7 =	simm.s32 @p2 $0x1082  }
0x22: {  	[simem:s7], [sflag:s8] =	dma.local @!p0 [hbm:s6], $0xF7A  }
0x23: {  	s9 =	sor.u32 $0xD0000000, s2;
	s6 =	simm.s32 $0x108;
	_ =	swait.ge @!p0 [sflag:s8], $0x0  }
0x24: {  	s3 =	sadd.s32 $0x88, s3;
	s6 =	simm.s32 @!p1 $0x1082;
	[sflag:s4] =	ssyncset.s32 $0xFFFFF086  }
0x25: {  	[simem:s6], [sflag:s4] =	dma.local [hbm:s3], $0xF7A  }
0x26: {  	[smem:$0x3F8D] =	sst s1;
	(tag) =	ssettag s2;
	_ =	strace s9  }
0x27: {  	s1 =	sld [smem:$0x3F9D]  }
0x28: {  	s2 =	sld [smem:$0x3F9E]  }
0x29: {  	s4 =	sld [smem:$0x3FA0]  }
0x2a: {  	p0 =	seq.s32 s5, $0x0;
	s5 =	sld [smem:$0x3FA1]  }
0x2b: {  	s6 =	sld [smem:$0x3FA2]  }
0x2c: {  	s7 =	sld [smem:$0x3FA3]  }
0x2d: {  	s3 =	simm.s32 $0x108;
	s8 =	sld [smem:$0x3FA4]  }
0x2e: {  	s3 =	simm.s32 @!p0 $0x1082;
	s9 =	sld [smem:$0x3FA5]  }
0x2f: {  	lr =	sadd.s32 s0, s3;
	s0 =	sld [smem:$0x3F9C]  }
0x30: {  	s3 =	sld [smem:$0x3F9F]  }
0x31: {  	[smem:$0x3FA8] =	sst s10  }
0x32: {  	s10 =	sld [smem:$0x3FA6];
	_ =	sdelay $0x3  }
0x33: {  	p0 =	seq.s32 s10, $0x1;
	s10 =	sld [smem:$0x3FA8];
	_ =	sdelay $0x3  }
0x34: {  	[smem:$0x3FA8] =	sst s10  }
0x35: {  	s10 =	sld [smem:$0x3FA7];
	_ =	sdelay $0x3  }
0x36: {  	p1 =	seq.s32 s10, $0x1;
	s10 =	sld [smem:$0x3FA8];
	_ =	sdelay $0x3  }
0x37: {  	[smem:$0x3FA8] =	sst s10  }
0x38: {  	s10 =	sld [smem:$0x3FA9]  }
0x39: {  	_ = 	snop;
	(pc) =	sbr.ind lr, $3  }
0x3a: {  	_ = 	snop  }
0x3b: {  	_ = 	snop  }
0x3c: {  	p2 =	seq.s32 s10, $0x1;
	s10 =	sld [smem:$0x3FA8]  }
0x3d: {  	_ =	shalt  }
0x3e: {  	_ =	shalt  }
0x3f: {  	_ =	shalt  }
0x40: {  	_ =	shalt  }
0x41: {  	_ =	shalt  }
0x42: {  	_ =	shalt  }
0x43: {  	_ =	shalt  }
0x44: {  	_ =	shalt  }
0x45: {  	_ =	shalt  }
0x46: {  	_ =	shalt  }
0x47: {  	_ =	shalt  }
0x48: {  	_ =	shalt  }
0x49: {  	_ =	shalt  }
0x4a: {  	_ =	shalt  }
0x4b: {  	_ =	shalt  }
0x4c: {  	_ =	shalt  }
0x4d: {  	_ =	shalt  }
0x4e: {  	_ =	shalt  }
0x4f: {  	_ =	shalt  }
0x50: {  	_ =	shalt  }
0x51: {  	_ =	shalt  }
0x52: {  	_ =	shalt  }
0x53: {  	_ =	shalt  }
0x54: {  	_ =	shalt  }
0x55: {  	_ =	shalt  }
0x56: {  	_ =	shalt  }
0x57: {  	_ =	shalt  }
0x58: {  	_ =	shalt  }
0x59: {  	_ =	shalt  }
0x5a: {  	_ =	shalt  }
0x5b: {  	_ =	shalt  }
0x5c: {  	_ =	shalt  }
0x5d: {  	_ =	shalt  }
0x5e: {  	_ =	shalt  }
0x5f: {  	_ =	shalt  }
0x60: {  	_ =	shalt  }
0x61: {  	_ =	shalt  }
0x62: {  	_ =	shalt  }
0x63: {  	_ =	shalt  }
0x64: {  	_ =	shalt  }
0x65: {  	_ =	shalt  }
0x66: {  	_ =	shalt  }
0x67: {  	_ =	shalt  }
0x68: {  	_ =	shalt  }
0x69: {  	_ =	shalt  }
0x6a: {  	_ =	shalt  }
0x6b: {  	_ =	shalt  }
0x6c: {  	_ =	shalt  }
0x6d: {  	_ =	shalt  }
0x6e: {  	_ =	shalt  }
0x6f: {  	_ =	shalt  }
0x70: {  	_ =	shalt  }
0x71: {  	_ =	shalt  }
0x72: {  	_ =	shalt  }
0x73: {  	_ =	shalt  }
0x74: {  	_ =	shalt  }
0x75: {  	_ =	shalt  }
0x76: {  	_ =	shalt  }
0x77: {  	_ =	shalt  }
0x78: {  	_ =	shalt  }
0x79: {  	_ =	shalt  }
0x7a: {  	_ =	shalt  }
0x7b: {  	_ =	shalt  }
0x7c: {  	_ =	shalt  }
0x7d: {  	_ =	shalt  }
0x7e: {  	_ =	shalt  }
0x7f: {  	_ =	shalt  }
0x80: {  	_ =	shalt  }
0x81: {  	_ =	shalt  }
0x82: {  	_ =	shalt  }
0x83: {  	_ =	shalt  }
0x84: {  	_ =	shalt  }
0x85: {  	_ =	shalt  }
0x86: {  	_ =	shalt  }
0x87: {  	_ =	shalt  }
.Lfunc_end0:
.L_simem_size_0:
called_computation_lowered:
.L_overlay_start_0:
0x88: {  	s2 =	sld [smem:$0x3FD9]  }
0x89: {  	s3 =	sld [smem:$0x3FFE];
	_ =	sdelay $0x1  }
0x8a: {  	s1 =	srdreg.scid  }
0x8b: {  	s0 =	sand.u32 $0x1, s1  }
0x8c: {  	s14 =	sshll.u32 s0, $0xA;
	s2 =	sadd.s32 s3, s2  }
0x8d: {  	s2 =	sadd.s32 s2, s14  }
0x8e: {  	[smem:$0x3FB4] =	sst s2  }
0x8f: {  	_ = 	snop  }
0x90: {  	s2 =	sld [smem:$0x3FD0];
	_ =	sdelay $0x2  }
0x91: {  	s4 =	simm.s32 $0xA;
	s5 =	simm.s32 $0x10;
	s15 =	sld [smem:$0x3FC8]  }
0x92: {  	[smem:s5], [sflag:s4] =	dma.local [hbm:s2], $0x1  }
0x93: {  	_ =	swait.eq [sflag:s4], $0x1  }
0x94: {  	[sflag:s4] =	ssyncset.done $0x0  }
0x95: {  	[sflag:s4] =	ssyncadd.s32 $0xFFFFFFFF  }
0x96: {  	s16 =	sld [smem:$0x10];
	(tm) =	ssettm $0x1  }
0x97: {  	s17 =	sld [smem:$0x3FFB];
	_ =	sdelay $0x3  }
0x98: {  	_ =	strace s17  }
0x99: {  	s4 =	sld [smem:$0x3FFC];
	_ =	sdelay $0x3  }
0x9a: {  	_ =	strace s4  }
0x9b: {  	s4 =	sld [smem:$0x3FFD];
	_ =	sdelay $0x3  }
0x9c: {  	_ =	strace s4  }
0x9d: {  	_ =	strace $0x8FFFFFFF  }
0x9e: {  	s18 =	sld [smem:$0x3FDB];
	_ =	sdelay $0x1  }
0x9f: {  	s19 =	simm.s32 $_scs_section_size  }
0xa0: {  	s6 =	simm.s32 $_size__tile_overlayer_lowered;
	s7 =	simm.s32 $_tile_overlayer_lowered  }
0xa1: {  	s22 =	simm.s32 $0x1BFF;
	s21 =	sshll.u32 s7, $0x1;
	s4 =	sadd.s32 s19, s18  }
0xa2: {  	s8 =	simm.s32 $0x0;
	s20 =	sshll.u32 s6, $0x1;
	s6 =	sadd.s32 s21, s4  }
0xa3: {  	[timem:s8], [sflag:s22] =	dma.local [hbm:s6], s20  }
0xa4: {  	_ =	swait.ge [sflag:s22], s20  }
0xa5: {  	s5 =	ssub.s32 $0x0, s20;
	[sflag:s22] =	ssyncset.done $0x0  }
0xa6: {  	[sflag:s22] =	ssyncadd.s32 s5;
	_ =	sdelay $0x1  }
0xa7: {  	s23 =	simm.s32 $0x1B8B  }
0xa8: {  	_ =	swait.ge [sflag:s23], $0x1  }
0xa9: {  	[sflag:s23] =	ssyncset.done $0x0  }
0xaa: {  	s25 =	simm.s32 $0x1B8E;
	s24 =	sld [smem:$0x3FFE];
	[sflag:s23] =	ssyncadd.s32 $0xFFFFFFFF  }
0xab: {  	s26 =	simm.s32 $execute0_lowered;
	[smem:$0x3FD2] =	sst s25  }
0xac: {  	s6 =	sshll.u32 s26, $0x1;
	_ =	strace $0x80000046;
	[dreg:$0x1] =	wrdreg $0xFFFFFFFF  }
0xad: {  	s28 =	simm.s32 $_size_execute0_lowered;
	s4 =	sadd.s32 s4, s6;
	[dreg:$0x0] =	wrdreg $0x0  }
0xae: {  	s6 =	sshll.u32 s28, $0x1;
	[dreg:$0x2] =	wrdreg s4  }
0xaf: {  	[dreg:$0x3] =	wrdreg s6  }
0xb0: {  	[dreg:$0x4] =	wrdreg $0xC0  }
0xb1: {  	_ =	task [dreg:s8], $0x5FFFF  }
0xb2: {  	[dreg:$0x1] =	wrdreg $0xFFFFFFFF  }
0xb3: {  	[dreg:$0x0] =	wrdreg $0x60  }
0xb4: {  	[dreg:$0x2] =	wrdreg s16  }
0xb5: {  	[dreg:$0x3] =	wrdreg s15  }
0xb6: {  	[dreg:$0x4] =	wrdreg s24  }
0xb7: {  	[dreg:$0x5] =	wrdreg $0x9  }
0xb8: {  	_ =	task.clear_ibuf [dreg:s8], $0x6FFFF;
	_ =	strace $0x90000046  }
0xb9: {  	s29 =	simm.s32 $0x9;
	_ =	strace $0x80000048  }
0xba: {  	_ =	swait.ge [sflag:s29], $0x1  }
0xbb: {  	[sflag:s29] =	ssyncadd.s32 $0xFFFFFFFF  }
0xbc: {  	_ =	strace $0x90000048  }
0xbd: {  	_ =	sfence  }
0xbe: {  	s30 =	sld [smem:$0x0];
	_ =	sdelay $0x2  }
0xbf: {  	s31 =	sshll.u32 s1, $0xD;
	s1 =	sshrl.u32 s1, $0x2  }
0xc0: {  	s3 =	sand.u32 $0x4000, s31;
	s1 =	sadd.s32 s1, s30  }
0xc1: {  	s0 =	sor.u32 s3, s0;
	s1 =	sshll.u32 s1, $0x11  }
0xc2: {  	s0 =	sor.u32 s1, s0  }
0xc3: {  	s0 =	sadd.s32 $0x8F2B, s0  }
0xc4: {  	[sflag:s0] =	ssyncadd.remote.s32 $0x1  }
0xc5: {  	_ =	sfence.sel $0xFFFF  }
0xc6: {  	[dreg:$0x0] =	wrdreg $0xFFFFFFFF;
	(pc) =	sbr.abs _section_cstart, $3  }
0xc7: {  	[dreg:$0x1] =	wrdreg $0xFFFFFFFF  }
0xc8: {  	_ =	task.clear_ibuf [dreg:s8], $0x2FFFF;
	_ =	strace $0x9FFFFFFF  }
0xc9: {  	(tm) =	ssettm $0x7FFFFFFF  }
tec
execute0_lowered:
.L_overlay_start_1:
0x0: {  	(tag) =	ssettag $0x1  }
0x1: {  	s1 =	rddreg [dreg:$0x0]  }
0x2: {  	s6 =	rddreg [dreg:$0x1]  }
0x3: {  	s4 =	rddreg [dreg:$0x2]  }
0x4: {  	s0 =	rddreg [dreg:$0x3]  }
0x5: {  	s3 =	simm.s32 $0x0;
	s2 =	stileid.u32;
	s5 =	srdreg.scid  }
0x6: {  	[smem:$0x7FF] =	sst s3;
	s7 =	sshll.u32 s2, $0x12;
	s5 =	sand.u32 $0x1, s5  }
0x7: {  	s9 =	sshll.u32 s2, $0xE;
	_ =	strace $0x80000047;
	s7 =	sadd.s32 s7, s4  }
0x8: {  	s29 =	ssub.s32 $0x2, s5;
	s10 =	sshll.u32 s5, $0xD;
	s5 =	sshll.u32 s5, $0x11  }
0x9: {  	s8 =	sshrl.u32 s29, $0x1;
	s30 =	sor.u32 s10, s9;
	s5 =	sadd.s32 s5, s7  }
0xa: {  	s7 =	simm.s32 $0x2;
	s9 =	simm.s32 $0x1;
	s10 =	simm.s32 $0x0  }
0xb: {  	s4 =	ssub.s32 s29, s8;
	s31 =	sshrl.u32 s30, $0x3;
	s5 =	sadd.s32 $0x413E00, s5  }
0xc: {  	s8 =	simm.s32 $0x80;
	s4 =	smax.u32 s4, $0x1;
	s6 =	sadd.s32 s31, s6  }
.LBB2_1:
0xd: {  	s11 =	sadd.s32 $0x0, s6  }
0xe: {  	[tilespmem:s3], [sflag:$0x2] =	stream.linear.gather [hbm4b:s11+s3], $0x80, $0x38;
	[tilespmem:$0x4080] =	vst v63  }
0xf: {  	_ =	swait.ge [sflag:s7], $0x80  }
0x10: {  	[sflag:s7] =	ssyncset.done $0x0  }
0x11: {  	[sflag:s7] =	ssyncadd.s32 $0xFFFFFF80  }
0x12: {  	[tilespmem:s8], [sflag:$0x1] =	stream.indirect.gather [hbm4b:s1+s8], $0x80, s3, s8, $0xb8;
	[tilespmem:$0x4080] =	vst v63  }
0x13: {  	_ =	swait.ge [sflag:s9], $0x4000  }
0x14: {  	[sflag:s9] =	ssyncset.done $0x0  }
0x15: {  	[sflag:s9] =	ssyncadd.s32 $0xFFFFC000  }
0x16: {  	[hbm4b:s5+s3] =	stream.linear.scatter [tilespmem:s8], [sflag:$0x2], $0x4000, $0x38;
	[tilespmem:$0x4080] =	vst v63  }
0x17: {  	s12 =	simm.s32 $0x10;
	_ =	swait.ge [sflag:s7], $0x4000  }
0x18: {  	s13 =	simm.s32 $0x20;
	s11 =	sadd.s32 $0x800, s5;
	[sflag:s7] =	ssyncset.done $0x0  }
.LBB2_2:
0x19: {  	s14 =	sadd.s32 s12, s6  }
0x1a: {  	[sflag:s7] =	ssyncadd.s32 $0xFFFFC000;
	s12 =	smov.u32 s13;
	s15 =	sadd.s32 $0x10, s13  }
0x1b: {  	[tilespmem:s3], [sflag:$0x2] =	stream.linear.gather [hbm4b:s14+s3], $0x80, $0x38;
	[tilespmem:$0x4080] =	vst v63  }
0x1c: {  	p0 =	sne.s32 s13, $0x3F0;
	_ =	swait.ge [sflag:s7], $0x80  }
0x1d: {  	[sflag:s7] =	ssyncset.done $0x0  }
0x1e: {  	[sflag:s7] =	ssyncadd.s32 $0xFFFFFF80  }
0x1f: {  	[tilespmem:s8], [sflag:$0x1] =	stream.indirect.gather [hbm4b:s1+s8], $0x80, s3, s8, $0xb8;
	[tilespmem:$0x4080] =	vst v63  }
0x20: {  	_ =	swait.ge [sflag:s9], $0x4000  }
.Ltmp0:
0x21: {  	[sflag:s9] =	ssyncset.done $0x0;
	(pc) =	sbr.rel @p0 .LBB2_2-.Ltmp0, $4  }
0x22: {  	[sflag:s9] =	ssyncadd.s32 $0xFFFFC000  }
0x23: {  	[hbm4b:s11+s3] =	stream.linear.scatter [tilespmem:s8], [sflag:$0x2], $0x4000, $0x38;
	[tilespmem:$0x4080] =	vst v63  }
0x24: {  	_ =	swait.ge [sflag:s7], $0x4000  }
0x25: {  	s13 =	smov.u32 s15;
	s11 =	sadd.s32 $0x800, s11;
	[sflag:s7] =	ssyncset.done $0x0  }
0x26: {  	s12 =	sadd.s32 s12, s6;
	[sflag:s7] =	ssyncadd.s32 $0xFFFFC000  }
0x27: {  	[tilespmem:s3], [sflag:$0x2] =	stream.linear.gather [hbm4b:s12+s3], $0x80, $0x38;
	[tilespmem:$0x4080] =	vst v63  }
0x28: {  	_ =	swait.ge [sflag:s7], $0x80  }
0x29: {  	[sflag:s7] =	ssyncset.done $0x0  }
0x2a: {  	[sflag:s7] =	ssyncadd.s32 $0xFFFFFF80  }
0x2b: {  	[tilespmem:s8], [sflag:$0x1] =	stream.indirect.gather [hbm4b:s1+s8], $0x80, s3, s8, $0xb8;
	[tilespmem:$0x4080] =	vst v63  }
0x2c: {  	s10 =	sadd.s32 $0x1, s10;
	_ =	swait.ge [sflag:s9], $0x4000  }
0x2d: {  	p0 =	sne.s32 s10, s4;
	[sflag:s9] =	ssyncset.done $0x0  }
.Ltmp1:
0x2e: {  	[sflag:s9] =	ssyncadd.s32 $0xFFFFC000;
	(pc) =	sbr.rel @p0 .LBB2_1-.Ltmp1, $4  }
0x2f: {  	[hbm4b:s11+s3] =	stream.linear.scatter [tilespmem:s8], [sflag:$0x2], $0x4000, $0x38;
	[tilespmem:$0x4080] =	vst v63  }
0x30: {  	_ =	swait.ge [sflag:s7], $0x4000  }
0x31: {  	[sflag:s7] =	ssyncset.done $0x0  }
0x32: {  	[sflag:s7] =	ssyncadd.s32 $0xFFFFC000  }
0x33: {  	_ =	sfence.sel $0x180000  }
0x34: {  	[bflag:$0x0] =	sbarrier.arrive $0xFFFF  }
0x35: {  	p0 =	sne.s32 s2, $0x0;
	_ =	strace $0x90000047  }
0x36: {  	s0 =	sadd.s32 @!p0 $0x100000, s0;
	[bflag:$0x2] =	sbarrier.arrive $0xFFFF  }
0x37: {  	[sflag:s0] =	ssyncadd.tile.s32 @!p0 $0x1;
	_ =	shalt  }
.Lfunc_end2:
_tile_overlayer_lowered:
.L_overlay_start_2:
0x38: {  	(tag) =	ssettag $0x2  }
0x39: {  	s0 =	rddreg [dreg:$0x0];
	s2 =	stileid.u32  }
0x3a: {  	s1 =	rddreg [dreg:$0x1];
	p0 =	sne.s32 s2, $0x0  }
0x3b: {  	s3 =	rddreg [dreg:$0x2];
	[bflag:$0x3] =	sbarrier.arrive $0xFFFF;
	s2 =	simm.s32 @!p0 $0x1C02  }
0x3c: {  	[timem:s3], [sflag:s2] =	dma.local @!p0 [hbm:s0], s1  }
0x3d: {  	s0 =	simm.s32 @!p0 $0x2  }
0x3e: {  	_ =	swait.ge @!p0 [sflag:s0], s1  }
0x3f: {  	s1 =	ssub.s32 @!p0 $0x0, s1;
	[sflag:s0] =	ssyncset.done @!p0 $0x0  }
0x40: {  	[sflag:s0] =	ssyncadd.s32 @!p0 s1  }
0x41: {  	[bflag:$0x3] =	sbarrier.arrive $0xFFFF  }
0x42: {  	_ =	shalt  }

</sc_bundles>
